<compile_context>
chip_gen: v7x
topology: tpu7x:2x2x1
jax: 0.10.2.dev20260603
libtpu: 0.0.44.dev20260713+nightly
codegen_flags: <defaults>
</compile_context>

<pallas_src>
import functools

import jax
import jax.numpy as jnp
from jax import lax
from jax.experimental import pallas as pl
from jax.experimental.pallas import tpu as pltpu
from jax.experimental.pallas import tpu_sc as plsc

N_E = 3_200_000
N_N = 100_000
R = 128
NROWS = 25600
N_EP = NROWS * R
NW = 32
ROWS_W = NROWS // NW
NTILE = 16
NODES_T = N_N // NTILE
NPAD_NODE = N_N + 8
M_E = 12800
N_REAL_BLOCKS = N_E // M_E
M_N = 5000
_OUT_ACT = [True, True, True, True, True, False]
_INTERPRET = False


def _leaky(h):
    return jnp.maximum(h, 0.01 * h)


def _pack128(g, w):
    m = g.shape[0]
    sub = m * w // 128
    return jnp.concatenate([g[k * sub:(k + 1) * sub] for k in range(128 // w)],
                           axis=1)


def _unpack128(p, w):
    return jnp.concatenate([p[:, k * w:(k + 1) * w] for k in range(128 // w)],
                           axis=0)


def _perm_like(a1d, w):
    pieces = 128 // w
    sub = M_E // pieces
    nb = N_EP // M_E
    return a1d.reshape(nb, pieces, sub).transpose(0, 2, 1).reshape(NROWS, R)


@functools.partial(jax.jit, static_argnums=(3,))
def _sc_gather(xpad, src, dst, dnp):
    K = 8 if dnp > 16 else 16
    nch = ROWS_W // K
    mesh = plsc.VectorSubcoreMesh(core_axis_name="c", subcore_axis_name="s")

    def body(x_hbm, src_hbm, dst_hbm, xs_hbm, xd_hbm,
             idx_s, idx_d, rows_s, rows_d, sem):
        cid = lax.axis_index("c")
        sid = lax.axis_index("s")
        wid = sid * 2 + cid
        base = wid * ROWS_W

        def chunk(ci, carry):
            r0 = base + ci * K
            pltpu.sync_copy(src_hbm.at[pl.ds(r0, K)], idx_s)
            pltpu.sync_copy(dst_hbm.at[pl.ds(r0, K)], idx_d)
            cps = []
            for j in range(K):
                cps.append(pltpu.async_copy(
                    x_hbm.at[idx_s.at[j]], rows_s.at[pl.ds(j * R, R)], sem))
                cps.append(pltpu.async_copy(
                    x_hbm.at[idx_d.at[j]], rows_d.at[pl.ds(j * R, R)], sem))
            for c in cps:
                c.wait()
            pltpu.sync_copy(rows_s, xs_hbm.at[pl.ds(r0 * R, K * R)])
            pltpu.sync_copy(rows_d, xd_hbm.at[pl.ds(r0 * R, K * R)])
            return carry

        lax.fori_loop(0, nch, chunk, 0)

    fn = pl.kernel(
        body,
        out_type=[jax.ShapeDtypeStruct((N_EP, dnp), jnp.float32),
                  jax.ShapeDtypeStruct((N_EP, dnp), jnp.float32)],
        mesh=mesh,
        scratch_types=[pltpu.VMEM((K, R), jnp.int32),
                       pltpu.VMEM((K, R), jnp.int32),
                       pltpu.VMEM((K * R, dnp), jnp.float32),
                       pltpu.VMEM((K * R, dnp), jnp.float32),
                       pltpu.SemaphoreType.DMA],
        compiler_params=pltpu.CompilerParams(use_tc_tiling_on_sc=False),
    )
    return fn(xpad, src, dst)


@functools.partial(jax.jit, static_argnums=(3,))
def _sc_scatter(eor, dst, zeros, dg):
    K = 16
    nch = ROWS_W // K
    mesh = plsc.VectorSubcoreMesh(core_axis_name="c", subcore_axis_name="s")

    def body(eor_hbm, dst_hbm, zeros_hbm, agg_hbm, idx_d, rows, table, sem):
        cid = lax.axis_index("c")
        sid = lax.axis_index("s")
        pltpu.sync_copy(zeros_hbm, table.at[pl.ds(sid * NODES_T, NODES_T)])
        plsc.subcore_barrier()
        wid = sid * 2 + cid
        base = wid * ROWS_W

        def chunk(ci, carry):
            r0 = base + ci * K
            pltpu.sync_copy(dst_hbm.at[pl.ds(r0, K)], idx_d)
            pltpu.sync_copy(eor_hbm.at[pl.ds(r0 * R, K * R)], rows)
            cps = []
            for j in range(K):
                cps.append(pltpu.async_copy(
                    rows.at[pl.ds(j * R, R)], table.at[idx_d.at[j]], sem, add=True))
            for c in cps:
                c.wait()
            return carry

        lax.fori_loop(0, nch, chunk, 0)
        plsc.subcore_barrier()
        pltpu.sync_copy(table.at[pl.ds(sid * NODES_T, NODES_T)],
                        agg_hbm.at[pl.ds(cid * N_N + sid * NODES_T, NODES_T)])

    fn = pl.kernel(
        body,
        out_type=jax.ShapeDtypeStruct((2 * N_N, dg), jnp.float32),
        mesh=mesh,
        scratch_types=[pltpu.VMEM((K, R), jnp.int32),
                       pltpu.VMEM((K * R, dg), jnp.float32),
                       pltpu.VMEM_SHARED((NPAD_NODE, dg), jnp.float32),
                       pltpu.SemaphoreType.DMA],
        compiler_params=pltpu.CompilerParams(use_tc_tiling_on_sc=False),
    )
    return fn(eor, dst, zeros)


def _edge_mlp(xs, xd, e_groups, e_widths, e_packed, u, layers, dn, dnp,
              out_groups, residual, out_act):
    M = M_E
    grid = N_EP // M
    du = u.shape[1]
    W1, b1 = layers[0]
    A = W1[0:dn]
    B = W1[dn:2 * dn]
    off = 2 * dn
    Cs = []
    for w in e_widths:
        Cs.append(W1[off:off + w])
        off += w
    D = W1[off:off + du]
    if dnp != dn:
        A = jnp.pad(A, ((0, dnp - dn), (0, 0)))
        B = jnp.pad(B, ((0, dnp - dn), (0, 0)))
    ABC = jnp.concatenate([A, B] + Cs, axis=0).astype(jnp.bfloat16)
    D = D.astype(jnp.bfloat16)
    rest = layers[1:]
    n_eg = len(e_groups)
    n_rest = len(rest)
    n_og = len(out_groups)

    def body(*refs):
        it = iter(refs)
        xs_r = next(it)
        xd_r = next(it)
        e_rs = [next(it) for _ in range(n_eg)]
        u_r = next(it)
        ABC_r = next(it)
        D_r = next(it)
        b1_r = next(it)
        rest_rs = [(next(it), next(it)) for _ in range(n_rest)]
        out_rs = [next(it) for _ in range(n_og)]
        pre_rs = [next(it) for _ in range(n_og)] if residual else []
        esum_rs = [next(it) for _ in range(n_og)]

        e_vals = []
        for e_r, ew in zip(e_rs, e_widths):
            v = e_r[...]
            e_vals.append(_unpack128(v, ew) if ew < 128 and e_packed else v)
        bf = jnp.bfloat16
        ABC = ABC_r[...]
        h = jnp.dot(_unpack128(xs_r[...], dnp).astype(bf), ABC[0:dnp],
                    preferred_element_type=jnp.float32)
        h = h + jnp.dot(_unpack128(xd_r[...], dnp).astype(bf), ABC[dnp:2 * dnp],
                        preferred_element_type=jnp.float32)
        o = 2 * dnp
        for v, ew in zip(e_vals, e_widths):
            h = h + jnp.dot(v.astype(bf), ABC[o:o + ew],
                            preferred_element_type=jnp.float32)
            o += ew
        h = h + (jnp.dot(u_r[...].astype(bf), D_r[...],
                         preferred_element_type=jnp.float32)
                 + b1_r[...])
        h = _leaky(h)
        for k, (W_r, b_r) in enumerate(rest_rs):
            h = jnp.dot(h.astype(bf), W_r[...],
                        preferred_element_type=jnp.float32) + b_r[...]
            if k < n_rest - 1:
                h = _leaky(h)
        if out_act:
            h = _leaky(h)
        hres = h
        if residual:
            hres = h + (e_vals[0] if n_eg == 1 else
                        jnp.concatenate(e_vals, axis=1))

        def store(gi, w, g_pre, g_out):
            @pl.when(pl.program_id(0) == 0)
            def _():
                esum_rs[gi][...] = jnp.zeros_like(esum_rs[gi])
            out_rs[gi][...] = _pack128(g_out, w)
            if residual:
                pre_rs[gi][...] = _pack128(g_pre, w)

            @pl.when(pl.program_id(0) < N_REAL_BLOCKS)
            def _():
                esum_rs[gi][...] += jnp.sum(
                    g_pre.reshape(M // 8, 8, g_pre.shape[1]), axis=0)

        off2 = 0
        for gi, w in enumerate(out_groups):
            store(gi, w, h[:, off2:off2 + w], hres[:, off2:off2 + w])
            off2 += w

    def row_map(i):
        return (i, 0)

    def fix_map(i):
        return (0, 0)

    biases = [b1.reshape(1, -1)] + [b.reshape(1, -1) for _, b in rest]
    in_arrays = ([xs, xd] + list(e_groups) + [u, ABC, D, biases[0]])
    e_blk = ([pl.BlockSpec((M * w // 128, 128), row_map) for w in e_widths]
             if e_packed else
             [pl.BlockSpec((M, w), row_map) for w in e_widths])
    xs_blk = pl.BlockSpec((M * dnp // 128, 128), row_map)
    in_specs = ([xs_blk, xs_blk]
                + e_blk
                + [pl.BlockSpec(u.shape, fix_map),
                   pl.BlockSpec(ABC.shape, fix_map),
                   pl.BlockSpec(D.shape, fix_map),
                   pl.BlockSpec(biases[0].shape, fix_map)])
    for k, (W, _) in enumerate(rest):
        in_arrays += [W.astype(jnp.bfloat16), biases[k + 1]]
        in_specs += [pl.BlockSpec(W.shape, fix_map),
                     pl.BlockSpec(biases[k + 1].shape, fix_map)]

    n_pre = n_og if residual else 0
    out_shape = ([jax.ShapeDtypeStruct((N_EP * w // 128, 128), jnp.float32)
                  for w in out_groups]
                 + [jax.ShapeDtypeStruct((N_EP * w // 128, 128), jnp.float32)
                    for w in out_groups[:n_pre]]
                 + [jax.ShapeDtypeStruct((8, w), jnp.float32) for w in out_groups])
    out_specs = ([pl.BlockSpec((M * w // 128, 128), row_map) for w in out_groups]
                 + [pl.BlockSpec((M * w // 128, 128), row_map)
                    for w in out_groups[:n_pre]]
                 + [pl.BlockSpec((8, w), fix_map) for w in out_groups])

    res = pl.pallas_call(
        body,
        grid=(grid,),
        in_specs=in_specs,
        out_specs=out_specs,
        out_shape=out_shape,
        compiler_params=pltpu.CompilerParams(
            dimension_semantics=("arbitrary",)),
        interpret=_INTERPRET,
    )(*in_arrays)
    post = res[:n_og]
    pre = res[n_og:n_og + n_pre] if residual else post
    esums = res[n_og + n_pre:]
    return post, pre, esums


def _node_mlp(x, agg_parts, u, layers, residual, out_act):
    Mn = M_N
    grid = N_N // Mn
    dn = x.shape[1]
    du = u.shape[1]
    W1, b1 = layers[0]
    A = W1[0:dn]
    off = dn
    Bs = []
    for p in agg_parts:
        w = p.shape[2]
        Bs.append(W1[off:off + w])
        off += w
    C = W1[off:off + du]
    rest = layers[1:]
    n_g = len(agg_parts)
    n_rest = len(rest)

    def body(*refs):
        it = iter(refs)
        x_r = next(it)
        p_rs = [next(it) for _ in range(n_g)]
        u_r = next(it)
        A_r = next(it)
        B_rs = [next(it) for _ in range(n_g)]
        C_r = next(it)
        b1_r = next(it)
        rest_rs = [(next(it), next(it)) for _ in range(n_rest)]
        out_r = next(it)
        xsum_r = next(it)

        h = jnp.dot(x_r[...], A_r[...], preferred_element_type=jnp.float32)
        for p_r, B_r in zip(p_rs, B_rs):
            agg = p_r[0] + p_r[1]
            h = h + jnp.dot(agg, B_r[...], preferred_element_type=jnp.float32)
        h = h + (jnp.dot(u_r[...], C_r[...], preferred_element_type=jnp.float32)
                 + b1_r[...])
        h = _leaky(h)
        for k, (W_r, b_r) in enumerate(rest_rs):
            h = jnp.dot(h, W_r[...], preferred_element_type=jnp.float32) + b_r[...]
            if k < n_rest - 1:
                h = _leaky(h)
        if out_act:
            h = _leaky(h)
        hres = h + x_r[...] if residual else h
        out_r[...] = hres

        @pl.when(pl.program_id(0) == 0)
        def _():
            xsum_r[...] = jnp.zeros_like(xsum_r)
        xsum_r[...] += jnp.sum(h.reshape(Mn // 8, 8, h.shape[1]), axis=0)

    def row_map(i):
        return (i, 0)

    def fix_map(i):
        return (0, 0)

    def part_map(i):
        return (0, i, 0)

    biases = [b1.reshape(1, -1)] + [b.reshape(1, -1) for _, b in rest]
    parts3 = [p.reshape(2, N_N, p.shape[2]) for p in agg_parts]
    in_arrays = [x] + parts3 + [u, A] + Bs + [C, biases[0]]
    in_specs = ([pl.BlockSpec((Mn, dn), row_map)]
                + [pl.BlockSpec((2, Mn, p.shape[2]), part_map) for p in parts3]
                + [pl.BlockSpec(u.shape, fix_map),
                   pl.BlockSpec(A.shape, fix_map)]
                + [pl.BlockSpec(b.shape, fix_map) for b in Bs]
                + [pl.BlockSpec(C.shape, fix_map),
                   pl.BlockSpec(biases[0].shape, fix_map)])
    for k, (W, _) in enumerate(rest):
        in_arrays += [W, biases[k + 1]]
        in_specs += [pl.BlockSpec(W.shape, fix_map),
                     pl.BlockSpec(biases[k + 1].shape, fix_map)]

    d_out = rest[-1][0].shape[1]
    out_shape = [jax.ShapeDtypeStruct((N_N, d_out), jnp.float32),
                 jax.ShapeDtypeStruct((8, d_out), jnp.float32)]
    out_specs = [pl.BlockSpec((Mn, d_out), row_map),
                 pl.BlockSpec((8, d_out), fix_map)]

    x_out, xsum = pl.pallas_call(
        body,
        grid=(grid,),
        in_specs=in_specs,
        out_specs=out_specs,
        out_shape=out_shape,
        compiler_params=pltpu.CompilerParams(
            dimension_semantics=("arbitrary",)),
        interpret=_INTERPRET,
    )(*in_arrays)
    return x_out, xsum


def _glob_mlp(esums, xsum, u, layers, residual, out_act):
    W1, b1 = layers[0]
    widths = [e.shape[1] for e in esums] + [xsum.shape[1], u.shape[1]]
    splits = []
    off = 0
    for w in widths:
        splits.append(W1[off:off + w])
        off += w
    rest = layers[1:]
    n_in = len(esums) + 2
    n_rest = len(rest)

    def body(*refs):
        it = iter(refs)
        in_rs = [next(it) for _ in range(n_in)]
        s_rs = [next(it) for _ in range(n_in)]
        b1_r = next(it)
        rest_rs = [(next(it), next(it)) for _ in range(n_rest)]
        out_r = next(it)

        h = b1_r[...]
        for q, (in_r, s_r) in enumerate(zip(in_rs, s_rs)):
            v = in_r[...]
            if q < n_in - 1:
                v = jnp.sum(v, axis=0, keepdims=True)
            h = h + jnp.dot(v, s_r[...], preferred_element_type=jnp.float32)
        h = _leaky(h)
        for k, (W_r, b_r) in enumerate(rest_rs):
            h = jnp.dot(h, W_r[...], preferred_element_type=jnp.float32) + b_r[...]
            if k < n_rest - 1:
                h = _leaky(h)
        if out_act:
            h = _leaky(h)
        if residual:
            h = h + in_rs[-1][...]
        out_r[...] = h

    biases = [b1.reshape(1, -1)] + [b.reshape(1, -1) for _, b in rest]
    in_arrays = list(esums) + [xsum, u] + splits + [biases[0]]
    for k, (W, _) in enumerate(rest):
        in_arrays += [W, biases[k + 1]]

    d_out = rest[-1][0].shape[1]
    u_out = pl.pallas_call(
        body,
        out_shape=jax.ShapeDtypeStruct((1, d_out), jnp.float32),
        interpret=_INTERPRET,
    )(*in_arrays)
    return u_out


def kernel(x, edge_index, edge_attr, u, params):
    npad = N_EP - N_E
    src1 = jnp.pad(edge_index[0].astype(jnp.int32), (0, npad))
    dst1 = jnp.pad(edge_index[1].astype(jnp.int32), (0, npad),
                   constant_values=N_N)
    src_perm = {w: _perm_like(src1, w) for w in (4, 8, 16, 32)}
    dst_gperm = {w: _perm_like(dst1, w) for w in (4, 8, 16, 32)}
    dst_perm = {w: _perm_like(dst1, w) for w in (8, 4)}
    e_groups = [jnp.pad(edge_attr, ((0, npad), (0, 0)))]
    e_widths = [edge_attr.shape[1]]
    e_packed = False
    xg = x
    ug = u
    for i, layer in enumerate(params):
        out_act = _OUT_ACT[i]
        dn = xg.shape[1]
        dnp = ((dn + 3) // 4) * 4
        xpad = xg if dnp == dn else jnp.pad(xg, ((0, 0), (0, dnp - dn)))
        xs, xd = _sc_gather(xpad, src_perm[dnp], dst_gperm[dnp], dnp)
        sp = N_EP * dnp // 128
        xs = xs.reshape(sp, 128)
        xd = xd.reshape(sp, 128)

        eW = layer['edge']
        do_e = eW[-1][0].shape[1]
        de_in = sum(e_widths)
        nW = layer['node']
        do_n = nW[-1][0].shape[1]
        residual = (de_in == do_e) and (dn == do_n)
        out_groups = [8] * (do_e // 8) if do_e > 8 else [do_e]

        e_outs, e_pres, esums = _edge_mlp(xs, xd, e_groups, e_widths, e_packed,
                                          ug, eW, dn, dnp,
                                          out_groups, residual, out_act)

        agg_parts = []
        for w, eo in zip(out_groups, e_pres):
            zeros = jnp.zeros((NODES_T, w), jnp.float32)
            agg_parts.append(
                _sc_scatter(eo.reshape(N_EP, w), dst_perm[w], zeros, w)
                .reshape(2, N_N, w))

        x_out, xsum = _node_mlp(xg, agg_parts, ug, nW, residual, out_act)
        u_out = _glob_mlp(esums, xsum, ug, layer['glob'], residual, out_act)

        xg, e_groups, ug = x_out, list(e_outs), u_out
        e_widths = list(out_groups)
        e_packed = True

    wf = e_widths[0]
    pieces = 128 // wf
    sub = M_E // pieces
    nb = N_EP // M_E
    e_final = (e_groups[0].reshape(nb, sub, pieces, wf)
               .transpose(0, 2, 1, 3).reshape(N_EP, wf))
    return xg, e_final[:N_E], ug

# --- scband reference (transcript-rebuilt; emitter-appended) ---
"""Pipeline reference for scband-wpgnn-71193377899098 (READ-ONLY COPY).

The authoritative reference and input builder live on the scoring server;
editing this copy changes nothing except your own understanding.
"""

import jax, jax.numpy as jnp
import numpy as np

GRAPH_SIZE = [[32, 32, 32], [16, 16, 16], [16, 16, 16], [8, 8, 8], [8, 8, 8], [4, 2, 2]]
EN, NN, GN = 2, 3, 3
N_NODES = 100000
N_EDGES = 3200000
OUT_ACT = [True, True, True, True, True, False]


def _mlp_init(key, d_in, hidden, n_layers, d_out):
    sizes = [hidden] * (n_layers - 1) + [d_out]
    layers = []
    d = d_in
    for s in sizes:
        key, k = jax.random.split(key)
        W = jax.random.normal(k, (d, s), dtype=jnp.float32) * (1.0 / np.sqrt(d))
        b = jnp.zeros((s,), dtype=jnp.float32)
        layers.append((W, b))
        d = s
    return layers


def _build_params(key):
    params = []
    n_meta = len(GRAPH_SIZE)
    for i in range(n_meta):
        dim_in = [EN, NN, GN] if i == 0 else GRAPH_SIZE[i - 1]
        dim_out = GRAPH_SIZE[i]
        n_layers = 5 if i < n_meta - 1 else 10
        hidden = 32 if i < n_meta - 1 else 10
        key, k1, k2, k3 = jax.random.split(key, 4)
        params.append({
            'edge': _mlp_init(k1, dim_in[0] + 2 * dim_in[1] + dim_in[2], hidden, n_layers, dim_out[0]),
            'node': _mlp_init(k2, dim_in[1] + dim_out[0] + dim_in[2], hidden, n_layers, dim_out[1]),
            'glob': _mlp_init(k3, dim_out[0] + dim_out[1] + dim_in[2], hidden, n_layers, dim_out[2]),
        })
    return params


def _run_mlp(h, layers, out_act):
    n = len(layers)
    for i, (W, b) in enumerate(layers):
        h = h @ W + b
        if i < n - 1:
            h = jax.nn.leaky_relu(h, negative_slope=0.01)
    if out_act:
        h = jax.nn.leaky_relu(h, negative_slope=0.01)
    return h


def _forward(x, edge_attr, u, params, src, dst):
    for i, layer in enumerate(params):
        n_e = edge_attr.shape[0]
        n_n = x.shape[0]
        # EdgeModel: cat([x_src, x_dst, edge_attr, u_per_edge]) -> MLP
        u_e = jnp.broadcast_to(u, (n_e, u.shape[1]))
        e_in = jnp.concatenate([x[src], x[dst], edge_attr, u_e], axis=1)
        e_out = _run_mlp(e_in, layer['edge'], OUT_ACT[i])
        # NodeModel: SumAggregation of updated edges into dst nodes
        agg_e = jax.ops.segment_sum(e_out, dst, num_segments=n_n)
        u_n = jnp.broadcast_to(u, (n_n, u.shape[1]))
        n_in = jnp.concatenate([x, agg_e, u_n], axis=1)
        x_out = _run_mlp(n_in, layer['node'], OUT_ACT[i])
        # GlobalModel: cat([sum(edges), sum(nodes), u]) -> MLP (single graph)
        g_in = jnp.concatenate([jnp.sum(e_out, axis=0, keepdims=True),
                                jnp.sum(x_out, axis=0, keepdims=True), u], axis=1)
        u_out = _run_mlp(g_in, layer['glob'], OUT_ACT[i])
        tf_edge = edge_attr.shape[1] == e_out.shape[1]
        tf_node = x.shape[1] == x_out.shape[1]
        tf_glob = u.shape[0] == u_out.shape[0]
        if tf_edge and tf_node and tf_glob:
            x_out = x_out + x
            e_out = e_out + edge_attr
            u_out = u_out + u
        x, edge_attr, u = x_out, e_out, u_out
    return x, edge_attr, u


def setup_inputs(seed: int = 0) -> dict:
    key = jax.random.key(seed)
    k1, k2, k3, k4, k5 = jax.random.split(key, 5)
    x = jax.random.normal(k1, (N_NODES, NN), dtype=jnp.float32)
    edge_index = jax.random.randint(k2, (2, N_EDGES), 0, N_NODES)
    edge_attr = jax.random.normal(k3, (N_EDGES, EN), dtype=jnp.float32)
    u = jax.random.normal(k4, (1, GN), dtype=jnp.float32)
    params = _build_params(k5)
    return {'x': x, 'edge_index': edge_index, 'edge_attr': edge_attr, 'u': u, 'params': params}


def reference(x, edge_index, edge_attr, u, params):
    src = edge_index[0]
    dst = edge_index[1]
    return _forward(x, edge_attr, u, params, src, dst)

if __name__ == "__main__":
    import jax
    _d = setup_inputs()
    print(jax.jit(kernel)(*tuple(_d.values())))

</pallas_src>

<mosaic_0001>
#map = affine_map<(d0, d1) -> (0, 0)>
module attributes {stable_mosaic.version = 14 : i64} {
  func.func @body(%arg0: i32, %arg1: i32, %arg2: memref<100000x4xf32, #tpu.memory_space<hbm>>, %arg3: memref<25600x128xi32, #tpu.memory_space<hbm>>, %arg4: memref<25600x128xi32, #tpu.memory_space<hbm>>, %arg5: memref<3276800x4xf32, #tpu.memory_space<hbm>>, %arg6: memref<3276800x4xf32, #tpu.memory_space<hbm>>, %arg7: memref<16x128xi32, #tpu.memory_space<vmem>>, %arg8: memref<16x128xi32, #tpu.memory_space<vmem>>, %arg9: memref<2048x4xf32, #tpu.memory_space<vmem>>, %arg10: memref<2048x4xf32, #tpu.memory_space<vmem>>, %arg11: memref<!tpu.dma_semaphore, #tpu.memory_space<semaphore_mem>>) attributes {dimension_semantics = [#tpu.dimension_semantics<core_parallel>, #tpu.dimension_semantics<subcore_parallel>], iteration_bounds = array<i64: 2, 16>, scalar_prefetch = 0 : i64, scratch_operands = 5 : i64, tpu.core_type = #tpu.core_type<sc_vector_subcore>, window_params = [{transform_indices = #map}, {transform_indices = #map}, {transform_indices = #map}, {transform_indices = #map}, {transform_indices = #map}]} {
    %mul3A = arith.constant 2 : i32
    %mul3A_0 = arith.muli %arg1, %mul3A : i32
    %add3A = arith.addi %mul3A_0, %arg0 : i32
    %mul3A_1 = arith.constant 800 : i32
    %mul3A_2 = arith.muli %add3A, %mul3A_1 : i32
    %scan3A = arith.constant 0 : i32
    %scan3A_3 = arith.constant 0 : i32
    %scan3A_4 = arith.constant 50 : i32
    %scan3A_5 = arith.addi %scan3A_3, %scan3A_4 : i32
    %scan3A_6 = arith.constant 1 : i32
    scf.for %scan3A_8 = %scan3A_3 to %scan3A_5 step %scan3A_6  : i32 {
      %mul3A_9 = arith.constant 16 : i32
      %mul3A_10 = arith.muli %scan3A_8, %mul3A_9 : i32
      %add3A_11 = arith.addi %mul3A_2, %mul3A_10 : i32
      "tpu.region"() ({
        %run_scoped3A = tpu.sem_alloc : memref<!tpu.dma_semaphore, #tpu.memory_space<semaphore_mem>>
        %dma_start3A_654 = arith.constant 0 : i32
        %dma_start3A_655 = tpu.memref_slice %arg3[%add3A_11, %dma_start3A_654] : memref<25600x128xi32, #tpu.memory_space<hbm>> -> memref<16x128xi32, #tpu.memory_space<hbm>>
        %dma_start3A_656 = arith.constant 0 : i32
        %dma_start3A_657 = tpu.memref_slice %arg3[%add3A_11, %dma_start3A_656] : memref<25600x128xi32, #tpu.memory_space<hbm>> -> memref<16x128xi32, #tpu.memory_space<hbm>>
        tpu.enqueue_dma source(%dma_start3A_657 : memref<16x128xi32, #tpu.memory_space<hbm>>) target(%arg7 : memref<16x128xi32, #tpu.memory_space<vmem>>) target_semaphore(%run_scoped3A : memref<!tpu.dma_semaphore, #tpu.memory_space<semaphore_mem>>)
        %dma_wait3A_658 = arith.constant 0 : i32
        %dma_wait3A_659 = tpu.memref_slice %arg3[%add3A_11, %dma_wait3A_658] : memref<25600x128xi32, #tpu.memory_space<hbm>> -> memref<16x128xi32, #tpu.memory_space<hbm>>
        %dma_wait3A_660 = arith.constant 0 : i32
        %dma_wait3A_661 = tpu.memref_slice %arg3[%add3A_11, %dma_wait3A_660] : memref<25600x128xi32, #tpu.memory_space<hbm>> -> memref<16x128xi32, #tpu.memory_space<hbm>>
        tpu.wait_dma2 semaphore(%run_scoped3A : memref<!tpu.dma_semaphore, #tpu.memory_space<semaphore_mem>>) src(%dma_wait3A_661 : memref<16x128xi32, #tpu.memory_space<hbm>>) dst(%arg7 : memref<16x128xi32, #tpu.memory_space<vmem>>)
        tpu.yield
      }) : () -> ()
      "tpu.region"() ({
        %run_scoped3A = tpu.sem_alloc : memref<!tpu.dma_semaphore, #tpu.memory_space<semaphore_mem>>
        %dma_start3A_654 = arith.constant 0 : i32
        %dma_start3A_655 = tpu.memref_slice %arg4[%add3A_11, %dma_start3A_654] : memref<25600x128xi32, #tpu.memory_space<hbm>> -> memref<16x128xi32, #tpu.memory_space<hbm>>
        %dma_start3A_656 = arith.constant 0 : i32
        %dma_start3A_657 = tpu.memref_slice %arg4[%add3A_11, %dma_start3A_656] : memref<25600x128xi32, #tpu.memory_space<hbm>> -> memref<16x128xi32, #tpu.memory_space<hbm>>
        tpu.enqueue_dma source(%dma_start3A_657 : memref<16x128xi32, #tpu.memory_space<hbm>>) target(%arg8 : memref<16x128xi32, #tpu.memory_space<vmem>>) target_semaphore(%run_scoped3A : memref<!tpu.dma_semaphore, #tpu.memory_space<semaphore_mem>>)
        %dma_wait3A_658 = arith.constant 0 : i32
        %dma_wait3A_659 = tpu.memref_slice %arg4[%add3A_11, %dma_wait3A_658] : memref<25600x128xi32, #tpu.memory_space<hbm>> -> memref<16x128xi32, #tpu.memory_space<hbm>>
        %dma_wait3A_660 = arith.constant 0 : i32
        %dma_wait3A_661 = tpu.memref_slice %arg4[%add3A_11, %dma_wait3A_660] : memref<25600x128xi32, #tpu.memory_space<hbm>> -> memref<16x128xi32, #tpu.memory_space<hbm>>
        tpu.wait_dma2 semaphore(%run_scoped3A : memref<!tpu.dma_semaphore, #tpu.memory_space<semaphore_mem>>) src(%dma_wait3A_661 : memref<16x128xi32, #tpu.memory_space<hbm>>) dst(%arg8 : memref<16x128xi32, #tpu.memory_space<vmem>>)
        tpu.yield
      }) : () -> ()
      %dma_start3A = arith.constant 0 : i32
      %dma_start3A_12 = arith.constant 0 : i32
      %dma_start3A_13 = arith.constant 0 : i32
      %dma_start3A_14 = tpu.memref_slice %arg9[%dma_start3A_12, %dma_start3A_13] : memref<2048x4xf32, #tpu.memory_space<vmem>> -> memref<128x4xf32, #tpu.memory_space<vmem>>
      %dma_start3A_15 = arith.constant 0 : i32
      %dma_start3A_16 = tpu.memref_slice %arg7[%dma_start3A, %dma_start3A_15] : memref<16x128xi32, #tpu.memory_space<vmem>> -> memref<1x128xi32, #tpu.memory_space<vmem>>
      %dma_start3A_17 = tpu.memref_squeeze %dma_start3A_16 : memref<1x128xi32, #tpu.memory_space<vmem>> -> memref<128xi32, #tpu.memory_space<vmem>>
      %dma_start3A_18 = arith.constant 0 : i32
      %dma_start3A_19 = arith.constant 0 : i32
      %dma_start3A_20 = tpu.memref_slice %arg2[%dma_start3A_18, %dma_start3A_19] : memref<100000x4xf32, #tpu.memory_space<hbm>> -> memref<100000x4xf32, #tpu.memory_space<hbm>>
      tpu.enqueue_indirect_dma source(%dma_start3A_20 : memref<100000x4xf32, #tpu.memory_space<hbm>>) target(%dma_start3A_14 : memref<128x4xf32, #tpu.memory_space<vmem>>) offsets(%dma_start3A_17 : memref<128xi32, #tpu.memory_space<vmem>>) semaphore(%arg11 : memref<!tpu.dma_semaphore, #tpu.memory_space<semaphore_mem>>)
      %dma_start3A_21 = arith.constant 0 : i32
      %dma_start3A_22 = arith.constant 0 : i32
      %dma_start3A_23 = arith.constant 0 : i32
      %dma_start3A_24 = tpu.memref_slice %arg10[%dma_start3A_22, %dma_start3A_23] : memref<2048x4xf32, #tpu.memory_space<vmem>> -> memref<128x4xf32, #tpu.memory_space<vmem>>
      %dma_start3A_25 = arith.constant 0 : i32
      %dma_start3A_26 = tpu.memref_slice %arg8[%dma_start3A_21, %dma_start3A_25] : memref<16x128xi32, #tpu.memory_space<vmem>> -> memref<1x128xi32, #tpu.memory_space<vmem>>
      %dma_start3A_27 = tpu.memref_squeeze %dma_start3A_26 : memref<1x128xi32, #tpu.memory_space<vmem>> -> memref<128xi32, #tpu.memory_space<vmem>>
      %dma_start3A_28 = arith.constant 0 : i32
      %dma_start3A_29 = arith.constant 0 : i32
      %dma_start3A_30 = tpu.memref_slice %arg2[%dma_start3A_28, %dma_start3A_29] : memref<100000x4xf32, #tpu.memory_space<hbm>> -> memref<100000x4xf32, #tpu.memory_space<hbm>>
      tpu.enqueue_indirect_dma source(%dma_start3A_30 : memref<100000x4xf32, #tpu.memory_space<hbm>>) target(%dma_start3A_24 : memref<128x4xf32, #tpu.memory_space<vmem>>) offsets(%dma_start3A_27 : memref<128xi32, #tpu.memory_space<vmem>>) semaphore(%arg11 : memref<!tpu.dma_semaphore, #tpu.memory_space<semaphore_mem>>)
      %dma_start3A_31 = arith.constant 1 : i32
      %dma_start3A_32 = arith.constant 128 : i32
      %dma_start3A_33 = arith.constant 0 : i32
      %dma_start3A_34 = tpu.memref_slice %arg9[%dma_start3A_32, %dma_start3A_33] : memref<2048x4xf32, #tpu.memory_space<vmem>> -> memref<128x4xf32, #tpu.memory_space<vmem>>
      %dma_start3A_35 = arith.constant 0 : i32
      %dma_start3A_36 = tpu.memref_slice %arg7[%dma_start3A_31, %dma_start3A_35] : memref<16x128xi32, #tpu.memory_space<vmem>> -> memref<1x128xi32, #tpu.memory_space<vmem>>
      %dma_start3A_37 = tpu.memref_squeeze %dma_start3A_36 : memref<1x128xi32, #tpu.memory_space<vmem>> -> memref<128xi32, #tpu.memory_space<vmem>>
      %dma_start3A_38 = arith.constant 0 : i32
      %dma_start3A_39 = arith.constant 0 : i32
      %dma_start3A_40 = tpu.memref_slice %arg2[%dma_start3A_38, %dma_start3A_39] : memref<100000x4xf32, #tpu.memory_space<hbm>> -> memref<100000x4xf32, #tpu.memory_space<hbm>>
      tpu.enqueue_indirect_dma source(%dma_start3A_40 : memref<100000x4xf32, #tpu.memory_space<hbm>>) target(%dma_start3A_34 : memref<128x4xf32, #tpu.memory_space<vmem>>) offsets(%dma_start3A_37 : memref<128xi32, #tpu.memory_space<vmem>>) semaphore(%arg11 : memref<!tpu.dma_semaphore, #tpu.memory_space<semaphore_mem>>)
      %dma_start3A_41 = arith.constant 1 : i32
      %dma_start3A_42 = arith.constant 128 : i32
      %dma_start3A_43 = arith.constant 0 : i32
      %dma_start3A_44 = tpu.memref_slice %arg10[%dma_start3A_42, %dma_start3A_43] : memref<2048x4xf32, #tpu.memory_space<vmem>> -> memref<128x4xf32, #tpu.memory_space<vmem>>
      %dma_start3A_45 = arith.constant 0 : i32
      %dma_start3A_46 = tpu.memref_slice %arg8[%dma_start3A_41, %dma_start3A_45] : memref<16x128xi32, #tpu.memory_space<vmem>> -> memref<1x128xi32, #tpu.memory_space<vmem>>
      %dma_start3A_47 = tpu.memref_squeeze %dma_start3A_46 : memref<1x128xi32, #tpu.memory_space<vmem>> -> memref<128xi32, #tpu.memory_space<vmem>>
      %dma_start3A_48 = arith.constant 0 : i32
      %dma_start3A_49 = arith.constant 0 : i32
      %dma_start3A_50 = tpu.memref_slice %arg2[%dma_start3A_48, %dma_start3A_49] : memref<100000x4xf32, #tpu.memory_space<hbm>> -> memref<100000x4xf32, #tpu.memory_space<hbm>>
      tpu.enqueue_indirect_dma source(%dma_start3A_50 : memref<100000x4xf32, #tpu.memory_space<hbm>>) target(%dma_start3A_44 : memref<128x4xf32, #tpu.memory_space<vmem>>) offsets(%dma_start3A_47 : memref<128xi32, #tpu.memory_space<vmem>>) semaphore(%arg11 : memref<!tpu.dma_semaphore, #tpu.memory_space<semaphore_mem>>)
      %dma_start3A_51 = arith.constant 2 : i32
      %dma_start3A_52 = arith.constant 256 : i32
      %dma_start3A_53 = arith.constant 0 : i32
      %dma_start3A_54 = tpu.memref_slice %arg9[%dma_start3A_52, %dma_start3A_53] : memref<2048x4xf32, #tpu.memory_space<vmem>> -> memref<128x4xf32, #tpu.memory_space<vmem>>
      %dma_start3A_55 = arith.constant 0 : i32
      %dma_start3A_56 = tpu.memref_slice %arg7[%dma_start3A_51, %dma_start3A_55] : memref<16x128xi32, #tpu.memory_space<vmem>> -> memref<1x128xi32, #tpu.memory_space<vmem>>
      %dma_start3A_57 = tpu.memref_squeeze %dma_start3A_56 : memref<1x128xi32, #tpu.memory_space<vmem>> -> memref<128xi32, #tpu.memory_space<vmem>>
      %dma_start3A_58 = arith.constant 0 : i32
      %dma_start3A_59 = arith.constant 0 : i32
      %dma_start3A_60 = tpu.memref_slice %arg2[%dma_start3A_58, %dma_start3A_59] : memref<100000x4xf32, #tpu.memory_space<hbm>> -> memref<100000x4xf32, #tpu.memory_space<hbm>>
      tpu.enqueue_indirect_dma source(%dma_start3A_60 : memref<100000x4xf32, #tpu.memory_space<hbm>>) target(%dma_start3A_54 : memref<128x4xf32, #tpu.memory_space<vmem>>) offsets(%dma_start3A_57 : memref<128xi32, #tpu.memory_space<vmem>>) semaphore(%arg11 : memref<!tpu.dma_semaphore, #tpu.memory_space<semaphore_mem>>)
      %dma_start3A_61 = arith.constant 2 : i32
      %dma_start3A_62 = arith.constant 256 : i32
      %dma_start3A_63 = arith.constant 0 : i32
      %dma_start3A_64 = tpu.memref_slice %arg10[%dma_start3A_62, %dma_start3A_63] : memref<2048x4xf32, #tpu.memory_space<vmem>> -> memref<128x4xf32, #tpu.memory_space<vmem>>
      %dma_start3A_65 = arith.constant 0 : i32
      %dma_start3A_66 = tpu.memref_slice %arg8[%dma_start3A_61, %dma_start3A_65] : memref<16x128xi32, #tpu.memory_space<vmem>> -> memref<1x128xi32, #tpu.memory_space<vmem>>
      %dma_start3A_67 = tpu.memref_squeeze %dma_start3A_66 : memref<1x128xi32, #tpu.memory_space<vmem>> -> memref<128xi32, #tpu.memory_space<vmem>>
      %dma_start3A_68 = arith.constant 0 : i32
      %dma_start3A_69 = arith.constant 0 : i32
      %dma_start3A_70 = tpu.memref_slice %arg2[%dma_start3A_68, %dma_start3A_69] : memref<100000x4xf32, #tpu.memory_space<hbm>> -> memref<100000x4xf32, #tpu.memory_space<hbm>>
      tpu.enqueue_indirect_dma source(%dma_start3A_70 : memref<100000x4xf32, #tpu.memory_space<hbm>>) target(%dma_start3A_64 : memref<128x4xf32, #tpu.memory_space<vmem>>) offsets(%dma_start3A_67 : memref<128xi32, #tpu.memory_space<vmem>>) semaphore(%arg11 : memref<!tpu.dma_semaphore, #tpu.memory_space<semaphore_mem>>)
      %dma_start3A_71 = arith.constant 3 : i32
      %dma_start3A_72 = arith.constant 384 : i32
      %dma_start3A_73 = arith.constant 0 : i32
      %dma_start3A_74 = tpu.memref_slice %arg9[%dma_start3A_72, %dma_start3A_73] : memref<2048x4xf32, #tpu.memory_space<vmem>> -> memref<128x4xf32, #tpu.memory_space<vmem>>
      %dma_start3A_75 = arith.constant 0 : i32
      %dma_start3A_76 = tpu.memref_slice %arg7[%dma_start3A_71, %dma_start3A_75] : memref<16x128xi32, #tpu.memory_space<vmem>> -> memref<1x128xi32, #tpu.memory_space<vmem>>
      %dma_start3A_77 = tpu.memref_squeeze %dma_start3A_76 : memref<1x128xi32, #tpu.memory_space<vmem>> -> memref<128xi32, #tpu.memory_space<vmem>>
      %dma_start3A_78 = arith.constant 0 : i32
      %dma_start3A_79 = arith.constant 0 : i32
      %dma_start3A_80 = tpu.memref_slice %arg2[%dma_start3A_78, %dma_start3A_79] : memref<100000x4xf32, #tpu.memory_space<hbm>> -> memref<100000x4xf32, #tpu.memory_space<hbm>>
      tpu.enqueue_indirect_dma source(%dma_start3A_80 : memref<100000x4xf32, #tpu.memory_space<hbm>>) target(%dma_start3A_74 : memref<128x4xf32, #tpu.memory_space<vmem>>) offsets(%dma_start3A_77 : memref<128xi32, #tpu.memory_space<vmem>>) semaphore(%arg11 : memref<!tpu.dma_semaphore, #tpu.memory_space<semaphore_mem>>)
      %dma_start3A_81 = arith.constant 3 : i32
      %dma_start3A_82 = arith.constant 384 : i32
      %dma_start3A_83 = arith.constant 0 : i32
      %dma_start3A_84 = tpu.memref_slice %arg10[%dma_start3A_82, %dma_start3A_83] : memref<2048x4xf32, #tpu.memory_space<vmem>> -> memref<128x4xf32, #tpu.memory_space<vmem>>
      %dma_start3A_85 = arith.constant 0 : i32
      %dma_start3A_86 = tpu.memref_slice %arg8[%dma_start3A_81, %dma_start3A_85] : memref<16x128xi32, #tpu.memory_space<vmem>> -> memref<1x128xi32, #tpu.memory_space<vmem>>
      %dma_start3A_87 = tpu.memref_squeeze %dma_start3A_86 : memref<1x128xi32, #tpu.memory_space<vmem>> -> memref<128xi32, #tpu.memory_space<vmem>>
      %dma_start3A_88 = arith.constant 0 : i32
      %dma_start3A_89 = arith.constant 0 : i32
      %dma_start3A_90 = tpu.memref_slice %arg2[%dma_start3A_88, %dma_start3A_89] : memref<100000x4xf32, #tpu.memory_space<hbm>> -> memref<100000x4xf32, #tpu.memory_space<hbm>>
      tpu.enqueue_indirect_dma source(%dma_start3A_90 : memref<100000x4xf32, #tpu.memory_space<hbm>>) target(%dma_start3A_84 : memref<128x4xf32, #tpu.memory_space<vmem>>) offsets(%dma_start3A_87 : memref<128xi32, #tpu.memory_space<vmem>>) semaphore(%arg11 : memref<!tpu.dma_semaphore, #tpu.memory_space<semaphore_mem>>)
      %dma_start3A_91 = arith.constant 4 : i32
      %dma_start3A_92 = arith.constant 512 : i32
      %dma_start3A_93 = arith.constant 0 : i32
      %dma_start3A_94 = tpu.memref_slice %arg9[%dma_start3A_92, %dma_start3A_93] : memref<2048x4xf32, #tpu.memory_space<vmem>> -> memref<128x4xf32, #tpu.memory_space<vmem>>
      %dma_start3A_95 = arith.constant 0 : i32
      %dma_start3A_96 = tpu.memref_slice %arg7[%dma_start3A_91, %dma_start3A_95] : memref<16x128xi32, #tpu.memory_space<vmem>> -> memref<1x128xi32, #tpu.memory_space<vmem>>
      %dma_start3A_97 = tpu.memref_squeeze %dma_start3A_96 : memref<1x128xi32, #tpu.memory_space<vmem>> -> memref<128xi32, #tpu.memory_space<vmem>>
      %dma_start3A_98 = arith.constant 0 : i32
      %dma_start3A_99 = arith.constant 0 : i32
      %dma_start3A_100 = tpu.memref_slice %arg2[%dma_start3A_98, %dma_start3A_99] : memref<100000x4xf32, #tpu.memory_space<hbm>> -> memref<100000x4xf32, #tpu.memory_space<hbm>>
      tpu.enqueue_indirect_dma source(%dma_start3A_100 : memref<100000x4xf32, #tpu.memory_space<hbm>>) target(%dma_start3A_94 : memref<128x4xf32, #tpu.memory_space<vmem>>) offsets(%dma_start3A_97 : memref<128xi32, #tpu.memory_space<vmem>>) semaphore(%arg11 : memref<!tpu.dma_semaphore, #tpu.memory_space<semaphore_mem>>)
      %dma_start3A_101 = arith.constant 4 : i32
      %dma_start3A_102 = arith.constant 512 : i32
      %dma_start3A_103 = arith.constant 0 : i32
      %dma_start3A_104 = tpu.memref_slice %arg10[%dma_start3A_102, %dma_start3A_103] : memref<2048x4xf32, #tpu.memory_space<vmem>> -> memref<128x4xf32, #tpu.memory_space<vmem>>
      %dma_start3A_105 = arith.constant 0 : i32
      %dma_start3A_106 = tpu.memref_slice %arg8[%dma_start3A_101, %dma_start3A_105] : memref<16x128xi32, #tpu.memory_space<vmem>> -> memref<1x128xi32, #tpu.memory_space<vmem>>
      %dma_start3A_107 = tpu.memref_squeeze %dma_start3A_106 : memref<1x128xi32, #tpu.memory_space<vmem>> -> memref<128xi32, #tpu.memory_space<vmem>>
      %dma_start3A_108 = arith.constant 0 : i32
      %dma_start3A_109 = arith.constant 0 : i32
      %dma_start3A_110 = tpu.memref_slice %arg2[%dma_start3A_108, %dma_start3A_109] : memref<100000x4xf32, #tpu.memory_space<hbm>> -> memref<100000x4xf32, #tpu.memory_space<hbm>>
      tpu.enqueue_indirect_dma source(%dma_start3A_110 : memref<100000x4xf32, #tpu.memory_space<hbm>>) target(%dma_start3A_104 : memref<128x4xf32, #tpu.memory_space<vmem>>) offsets(%dma_start3A_107 : memref<128xi32, #tpu.memory_space<vmem>>) semaphore(%arg11 : memref<!tpu.dma_semaphore, #tpu.memory_space<semaphore_mem>>)
      %dma_start3A_111 = arith.constant 5 : i32
      %dma_start3A_112 = arith.constant 640 : i32
      %dma_start3A_113 = arith.constant 0 : i32
      %dma_start3A_114 = tpu.memref_slice %arg9[%dma_start3A_112, %dma_start3A_113] : memref<2048x4xf32, #tpu.memory_space<vmem>> -> memref<128x4xf32, #tpu.memory_space<vmem>>
      %dma_start3A_115 = arith.constant 0 : i32
      %dma_start3A_116 = tpu.memref_slice %arg7[%dma_start3A_111, %dma_start3A_115] : memref<16x128xi32, #tpu.memory_space<vmem>> -> memref<1x128xi32, #tpu.memory_space<vmem>>
      %dma_start3A_117 = tpu.memref_squeeze %dma_start3A_116 : memref<1x128xi32, #tpu.memory_space<vmem>> -> memref<128xi32, #tpu.memory_space<vmem>>
      %dma_start3A_118 = arith.constant 0 : i32
      %dma_start3A_119 = arith.constant 0 : i32
      %dma_start3A_120 = tpu.memref_slice %arg2[%dma_start3A_118, %dma_start3A_119] : memref<100000x4xf32, #tpu.memory_space<hbm>> -> memref<100000x4xf32, #tpu.memory_space<hbm>>
      tpu.enqueue_indirect_dma source(%dma_start3A_120 : memref<100000x4xf32, #tpu.memory_space<hbm>>) target(%dma_start3A_114 : memref<128x4xf32, #tpu.memory_space<vmem>>) offsets(%dma_start3A_117 : memref<128xi32, #tpu.memory_space<vmem>>) semaphore(%arg11 : memref<!tpu.dma_semaphore, #tpu.memory_space<semaphore_mem>>)
      %dma_start3A_121 = arith.constant 5 : i32
      %dma_start3A_122 = arith.constant 640 : i32
      %dma_start3A_123 = arith.constant 0 : i32
      %dma_start3A_124 = tpu.memref_slice %arg10[%dma_start3A_122, %dma_start3A_123] : memref<2048x4xf32, #tpu.memory_space<vmem>> -> memref<128x4xf32, #tpu.memory_space<vmem>>
      %dma_start3A_125 = arith.constant 0 : i32
      %dma_start3A_126 = tpu.memref_slice %arg8[%dma_start3A_121, %dma_start3A_125] : memref<16x128xi32, #tpu.memory_space<vmem>> -> memref<1x128xi32, #tpu.memory_space<vmem>>
      %dma_start3A_127 = tpu.memref_squeeze %dma_start3A_126 : memref<1x128xi32, #tpu.memory_space<vmem>> -> memref<128xi32, #tpu.memory_space<vmem>>
      %dma_start3A_128 = arith.constant 0 : i32
      %dma_start3A_129 = arith.constant 0 : i32
      %dma_start3A_130 = tpu.memref_slice %arg2[%dma_start3A_128, %dma_start3A_129] : memref<100000x4xf32, #tpu.memory_space<hbm>> -> memref<100000x4xf32, #tpu.memory_space<hbm>>
      tpu.enqueue_indirect_dma source(%dma_start3A_130 : memref<100000x4xf32, #tpu.memory_space<hbm>>) target(%dma_start3A_124 : memref<128x4xf32, #tpu.memory_space<vmem>>) offsets(%dma_start3A_127 : memref<128xi32, #tpu.memory_space<vmem>>) semaphore(%arg11 : memref<!tpu.dma_semaphore, #tpu.memory_space<semaphore_mem>>)
      %dma_start3A_131 = arith.constant 6 : i32
      %dma_start3A_132 = arith.constant 768 : i32
      %dma_start3A_133 = arith.constant 0 : i32
      %dma_start3A_134 = tpu.memref_slice %arg9[%dma_start3A_132, %dma_start3A_133] : memref<2048x4xf32, #tpu.memory_space<vmem>> -> memref<128x4xf32, #tpu.memory_space<vmem>>
      %dma_start3A_135 = arith.constant 0 : i32
      %dma_start3A_136 = tpu.memref_slice %arg7[%dma_start3A_131, %dma_start3A_135] : memref<16x128xi32, #tpu.memory_space<vmem>> -> memref<1x128xi32, #tpu.memory_space<vmem>>
      %dma_start3A_137 = tpu.memref_squeeze %dma_start3A_136 : memref<1x128xi32, #tpu.memory_space<vmem>> -> memref<128xi32, #tpu.memory_space<vmem>>
      %dma_start3A_138 = arith.constant 0 : i32
      %dma_start3A_139 = arith.constant 0 : i32
      %dma_start3A_140 = tpu.memref_slice %arg2[%dma_start3A_138, %dma_start3A_139] : memref<100000x4xf32, #tpu.memory_space<hbm>> -> memref<100000x4xf32, #tpu.memory_space<hbm>>
      tpu.enqueue_indirect_dma source(%dma_start3A_140 : memref<100000x4xf32, #tpu.memory_space<hbm>>) target(%dma_start3A_134 : memref<128x4xf32, #tpu.memory_space<vmem>>) offsets(%dma_start3A_137 : memref<128xi32, #tpu.memory_space<vmem>>) semaphore(%arg11 : memref<!tpu.dma_semaphore, #tpu.memory_space<semaphore_mem>>)
      %dma_start3A_141 = arith.constant 6 : i32
      %dma_start3A_142 = arith.constant 768 : i32
      %dma_start3A_143 = arith.constant 0 : i32
      %dma_start3A_144 = tpu.memref_slice %arg10[%dma_start3A_142, %dma_start3A_143] : memref<2048x4xf32, #tpu.memory_space<vmem>> -> memref<128x4xf32, #tpu.memory_space<vmem>>
      %dma_start3A_145 = arith.constant 0 : i32
      %dma_start3A_146 = tpu.memref_slice %arg8[%dma_start3A_141, %dma_start3A_145] : memref<16x128xi32, #tpu.memory_space<vmem>> -> memref<1x128xi32, #tpu.memory_space<vmem>>
      %dma_start3A_147 = tpu.memref_squeeze %dma_start3A_146 : memref<1x128xi32, #tpu.memory_space<vmem>> -> memref<128xi32, #tpu.memory_space<vmem>>
      %dma_start3A_148 = arith.constant 0 : i32
      %dma_start3A_149 = arith.constant 0 : i32
      %dma_start3A_150 = tpu.memref_slice %arg2[%dma_start3A_148, %dma_start3A_149] : memref<100000x4xf32, #tpu.memory_space<hbm>> -> memref<100000x4xf32, #tpu.memory_space<hbm>>
      tpu.enqueue_indirect_dma source(%dma_start3A_150 : memref<100000x4xf32, #tpu.memory_space<hbm>>) target(%dma_start3A_144 : memref<128x4xf32, #tpu.memory_space<vmem>>) offsets(%dma_start3A_147 : memref<128xi32, #tpu.memory_space<vmem>>) semaphore(%arg11 : memref<!tpu.dma_semaphore, #tpu.memory_space<semaphore_mem>>)
      %dma_start3A_151 = arith.constant 7 : i32
      %dma_start3A_152 = arith.constant 896 : i32
      %dma_start3A_153 = arith.constant 0 : i32
      %dma_start3A_154 = tpu.memref_slice %arg9[%dma_start3A_152, %dma_start3A_153] : memref<2048x4xf32, #tpu.memory_space<vmem>> -> memref<128x4xf32, #tpu.memory_space<vmem>>
      %dma_start3A_155 = arith.constant 0 : i32
      %dma_start3A_156 = tpu.memref_slice %arg7[%dma_start3A_151, %dma_start3A_155] : memref<16x128xi32, #tpu.memory_space<vmem>> -> memref<1x128xi32, #tpu.memory_space<vmem>>
      %dma_start3A_157 = tpu.memref_squeeze %dma_start3A_156 : memref<1x128xi32, #tpu.memory_space<vmem>> -> memref<128xi32, #tpu.memory_space<vmem>>
      %dma_start3A_158 = arith.constant 0 : i32
      %dma_start3A_159 = arith.constant 0 : i32
      %dma_start3A_160 = tpu.memref_slice %arg2[%dma_start3A_158, %dma_start3A_159] : memref<100000x4xf32, #tpu.memory_space<hbm>> -> memref<100000x4xf32, #tpu.memory_space<hbm>>
      tpu.enqueue_indirect_dma source(%dma_start3A_160 : memref<100000x4xf32, #tpu.memory_space<hbm>>) target(%dma_start3A_154 : memref<128x4xf32, #tpu.memory_space<vmem>>) offsets(%dma_start3A_157 : memref<128xi32, #tpu.memory_space<vmem>>) semaphore(%arg11 : memref<!tpu.dma_semaphore, #tpu.memory_space<semaphore_mem>>)
      %dma_start3A_161 = arith.constant 7 : i32
      %dma_start3A_162 = arith.constant 896 : i32
      %dma_start3A_163 = arith.constant 0 : i32
      %dma_start3A_164 = tpu.memref_slice %arg10[%dma_start3A_162, %dma_start3A_163] : memref<2048x4xf32, #tpu.memory_space<vmem>> -> memref<128x4xf32, #tpu.memory_space<vmem>>
      %dma_start3A_165 = arith.constant 0 : i32
      %dma_start3A_166 = tpu.memref_slice %arg8[%dma_start3A_161, %dma_start3A_165] : memref<16x128xi32, #tpu.memory_space<vmem>> -> memref<1x128xi32, #tpu.memory_space<vmem>>
      %dma_start3A_167 = tpu.memref_squeeze %dma_start3A_166 : memref<1x128xi32, #tpu.memory_space<vmem>> -> memref<128xi32, #tpu.memory_space<vmem>>
      %dma_start3A_168 = arith.constant 0 : i32
      %dma_start3A_169 = arith.constant 0 : i32
      %dma_start3A_170 = tpu.memref_slice %arg2[%dma_start3A_168, %dma_start3A_169] : memref<100000x4xf32, #tpu.memory_space<hbm>> -> memref<100000x4xf32, #tpu.memory_space<hbm>>
      tpu.enqueue_indirect_dma source(%dma_start3A_170 : memref<100000x4xf32, #tpu.memory_space<hbm>>) target(%dma_start3A_164 : memref<128x4xf32, #tpu.memory_space<vmem>>) offsets(%dma_start3A_167 : memref<128xi32, #tpu.memory_space<vmem>>) semaphore(%arg11 : memref<!tpu.dma_semaphore, #tpu.memory_space<semaphore_mem>>)
      %dma_start3A_171 = arith.constant 8 : i32
      %dma_start3A_172 = arith.constant 1024 : i32
      %dma_start3A_173 = arith.constant 0 : i32
      %dma_start3A_174 = tpu.memref_slice %arg9[%dma_start3A_172, %dma_start3A_173] : memref<2048x4xf32, #tpu.memory_space<vmem>> -> memref<128x4xf32, #tpu.memory_space<vmem>>
      %dma_start3A_175 = arith.constant 0 : i32
      %dma_start3A_176 = tpu.memref_slice %arg7[%dma_start3A_171, %dma_start3A_175] : memref<16x128xi32, #tpu.memory_space<vmem>> -> memref<1x128xi32, #tpu.memory_space<vmem>>
      %dma_start3A_177 = tpu.memref_squeeze %dma_start3A_176 : memref<1x128xi32, #tpu.memory_space<vmem>> -> memref<128xi32, #tpu.memory_space<vmem>>
      %dma_start3A_178 = arith.constant 0 : i32
      %dma_start3A_179 = arith.constant 0 : i32
      %dma_start3A_180 = tpu.memref_slice %arg2[%dma_start3A_178, %dma_start3A_179] : memref<100000x4xf32, #tpu.memory_space<hbm>> -> memref<100000x4xf32, #tpu.memory_space<hbm>>
      tpu.enqueue_indirect_dma source(%dma_start3A_180 : memref<100000x4xf32, #tpu.memory_space<hbm>>) target(%dma_start3A_174 : memref<128x4xf32, #tpu.memory_space<vmem>>) offsets(%dma_start3A_177 : memref<128xi32, #tpu.memory_space<vmem>>) semaphore(%arg11 : memref<!tpu.dma_semaphore, #tpu.memory_space<semaphore_mem>>)
      %dma_start3A_181 = arith.constant 8 : i32
      %dma_start3A_182 = arith.constant 1024 : i32
      %dma_start3A_183 = arith.constant 0 : i32
      %dma_start3A_184 = tpu.memref_slice %arg10[%dma_start3A_182, %dma_start3A_183] : memref<2048x4xf32, #tpu.memory_space<vmem>> -> memref<128x4xf32, #tpu.memory_space<vmem>>
      %dma_start3A_185 = arith.constant 0 : i32
      %dma_start3A_186 = tpu.memref_slice %arg8[%dma_start3A_181, %dma_start3A_185] : memref<16x128xi32, #tpu.memory_space<vmem>> -> memref<1x128xi32, #tpu.memory_space<vmem>>
      %dma_start3A_187 = tpu.memref_squeeze %dma_start3A_186 : memref<1x128xi32, #tpu.memory_space<vmem>> -> memref<128xi32, #tpu.memory_space<vmem>>
      %dma_start3A_188 = arith.constant 0 : i32
      %dma_start3A_189 = arith.constant 0 : i32
      %dma_start3A_190 = tpu.memref_slice %arg2[%dma_start3A_188, %dma_start3A_189] : memref<100000x4xf32, #tpu.memory_space<hbm>> -> memref<100000x4xf32, #tpu.memory_space<hbm>>
      tpu.enqueue_indirect_dma source(%dma_start3A_190 : memref<100000x4xf32, #tpu.memory_space<hbm>>) target(%dma_start3A_184 : memref<128x4xf32, #tpu.memory_space<vmem>>) offsets(%dma_start3A_187 : memref<128xi32, #tpu.memory_space<vmem>>) semaphore(%arg11 : memref<!tpu.dma_semaphore, #tpu.memory_space<semaphore_mem>>)
      %dma_start3A_191 = arith.constant 9 : i32
      %dma_start3A_192 = arith.constant 1152 : i32
      %dma_start3A_193 = arith.constant 0 : i32
      %dma_start3A_194 = tpu.memref_slice %arg9[%dma_start3A_192, %dma_start3A_193] : memref<2048x4xf32, #tpu.memory_space<vmem>> -> memref<128x4xf32, #tpu.memory_space<vmem>>
      %dma_start3A_195 = arith.constant 0 : i32
      %dma_start3A_196 = tpu.memref_slice %arg7[%dma_start3A_191, %dma_start3A_195] : memref<16x128xi32, #tpu.memory_space<vmem>> -> memref<1x128xi32, #tpu.memory_space<vmem>>
      %dma_start3A_197 = tpu.memref_squeeze %dma_start3A_196 : memref<1x128xi32, #tpu.memory_space<vmem>> -> memref<128xi32, #tpu.memory_space<vmem>>
      %dma_start3A_198 = arith.constant 0 : i32
      %dma_start3A_199 = arith.constant 0 : i32
      %dma_start3A_200 = tpu.memref_slice %arg2[%dma_start3A_198, %dma_start3A_199] : memref<100000x4xf32, #tpu.memory_space<hbm>> -> memref<100000x4xf32, #tpu.memory_space<hbm>>
      tpu.enqueue_indirect_dma source(%dma_start3A_200 : memref<100000x4xf32, #tpu.memory_space<hbm>>) target(%dma_start3A_194 : memref<128x4xf32, #tpu.memory_space<vmem>>) offsets(%dma_start3A_197 : memref<128xi32, #tpu.memory_space<vmem>>) semaphore(%arg11 : memref<!tpu.dma_semaphore, #tpu.memory_space<semaphore_mem>>)
      %dma_start3A_201 = arith.constant 9 : i32
      %dma_start3A_202 = arith.constant 1152 : i32
      %dma_start3A_203 = arith.constant 0 : i32
      %dma_start3A_204 = tpu.memref_slice %arg10[%dma_start3A_202, %dma_start3A_203] : memref<2048x4xf32, #tpu.memory_space<vmem>> -> memref<128x4xf32, #tpu.memory_space<vmem>>
      %dma_start3A_205 = arith.constant 0 : i32
      %dma_start3A_206 = tpu.memref_slice %arg8[%dma_start3A_201, %dma_start3A_205] : memref<16x128xi32, #tpu.memory_space<vmem>> -> memref<1x128xi32, #tpu.memory_space<vmem>>
      %dma_start3A_207 = tpu.memref_squeeze %dma_start3A_206 : memref<1x128xi32, #tpu.memory_space<vmem>> -> memref<128xi32, #tpu.memory_space<vmem>>
      %dma_start3A_208 = arith.constant 0 : i32
      %dma_start3A_209 = arith.constant 0 : i32
      %dma_start3A_210 = tpu.memref_slice %arg2[%dma_start3A_208, %dma_start3A_209] : memref<100000x4xf32, #tpu.memory_space<hbm>> -> memref<100000x4xf32, #tpu.memory_space<hbm>>
      tpu.enqueue_indirect_dma source(%dma_start3A_210 : memref<100000x4xf32, #tpu.memory_space<hbm>>) target(%dma_start3A_204 : memref<128x4xf32, #tpu.memory_space<vmem>>) offsets(%dma_start3A_207 : memref<128xi32, #tpu.memory_space<vmem>>) semaphore(%arg11 : memref<!tpu.dma_semaphore, #tpu.memory_space<semaphore_mem>>)
      %dma_start3A_211 = arith.constant 10 : i32
      %dma_start3A_212 = arith.constant 1280 : i32
      %dma_start3A_213 = arith.constant 0 : i32
      %dma_start3A_214 = tpu.memref_slice %arg9[%dma_start3A_212, %dma_start3A_213] : memref<2048x4xf32, #tpu.memory_space<vmem>> -> memref<128x4xf32, #tpu.memory_space<vmem>>
      %dma_start3A_215 = arith.constant 0 : i32
      %dma_start3A_216 = tpu.memref_slice %arg7[%dma_start3A_211, %dma_start3A_215] : memref<16x128xi32, #tpu.memory_space<vmem>> -> memref<1x128xi32, #tpu.memory_space<vmem>>
      %dma_start3A_217 = tpu.memref_squeeze %dma_start3A_216 : memref<1x128xi32, #tpu.memory_space<vmem>> -> memref<128xi32, #tpu.memory_space<vmem>>
      %dma_start3A_218 = arith.constant 0 : i32
      %dma_start3A_219 = arith.constant 0 : i32
      %dma_start3A_220 = tpu.memref_slice %arg2[%dma_start3A_218, %dma_start3A_219] : memref<100000x4xf32, #tpu.memory_space<hbm>> -> memref<100000x4xf32, #tpu.memory_space<hbm>>
      tpu.enqueue_indirect_dma source(%dma_start3A_220 : memref<100000x4xf32, #tpu.memory_space<hbm>>) target(%dma_start3A_214 : memref<128x4xf32, #tpu.memory_space<vmem>>) offsets(%dma_start3A_217 : memref<128xi32, #tpu.memory_space<vmem>>) semaphore(%arg11 : memref<!tpu.dma_semaphore, #tpu.memory_space<semaphore_mem>>)
      %dma_start3A_221 = arith.constant 10 : i32
      %dma_start3A_222 = arith.constant 1280 : i32
      %dma_start3A_223 = arith.constant 0 : i32
      %dma_start3A_224 = tpu.memref_slice %arg10[%dma_start3A_222, %dma_start3A_223] : memref<2048x4xf32, #tpu.memory_space<vmem>> -> memref<128x4xf32, #tpu.memory_space<vmem>>
      %dma_start3A_225 = arith.constant 0 : i32
      %dma_start3A_226 = tpu.memref_slice %arg8[%dma_start3A_221, %dma_start3A_225] : memref<16x128xi32, #tpu.memory_space<vmem>> -> memref<1x128xi32, #tpu.memory_space<vmem>>
      %dma_start3A_227 = tpu.memref_squeeze %dma_start3A_226 : memref<1x128xi32, #tpu.memory_space<vmem>> -> memref<128xi32, #tpu.memory_space<vmem>>
      %dma_start3A_228 = arith.constant 0 : i32
      %dma_start3A_229 = arith.constant 0 : i32
      %dma_start3A_230 = tpu.memref_slice %arg2[%dma_start3A_228, %dma_start3A_229] : memref<100000x4xf32, #tpu.memory_space<hbm>> -> memref<100000x4xf32, #tpu.memory_space<hbm>>
      tpu.enqueue_indirect_dma source(%dma_start3A_230 : memref<100000x4xf32, #tpu.memory_space<hbm>>) target(%dma_start3A_224 : memref<128x4xf32, #tpu.memory_space<vmem>>) offsets(%dma_start3A_227 : memref<128xi32, #tpu.memory_space<vmem>>) semaphore(%arg11 : memref<!tpu.dma_semaphore, #tpu.memory_space<semaphore_mem>>)
      %dma_start3A_231 = arith.constant 11 : i32
      %dma_start3A_232 = arith.constant 1408 : i32
      %dma_start3A_233 = arith.constant 0 : i32
      %dma_start3A_234 = tpu.memref_slice %arg9[%dma_start3A_232, %dma_start3A_233] : memref<2048x4xf32, #tpu.memory_space<vmem>> -> memref<128x4xf32, #tpu.memory_space<vmem>>
      %dma_start3A_235 = arith.constant 0 : i32
      %dma_start3A_236 = tpu.memref_slice %arg7[%dma_start3A_231, %dma_start3A_235] : memref<16x128xi32, #tpu.memory_space<vmem>> -> memref<1x128xi32, #tpu.memory_space<vmem>>
      %dma_start3A_237 = tpu.memref_squeeze %dma_start3A_236 : memref<1x128xi32, #tpu.memory_space<vmem>> -> memref<128xi32, #tpu.memory_space<vmem>>
      %dma_start3A_238 = arith.constant 0 : i32
      %dma_start3A_239 = arith.constant 0 : i32
      %dma_start3A_240 = tpu.memref_slice %arg2[%dma_start3A_238, %dma_start3A_239] : memref<100000x4xf32, #tpu.memory_space<hbm>> -> memref<100000x4xf32, #tpu.memory_space<hbm>>
      tpu.enqueue_indirect_dma source(%dma_start3A_240 : memref<100000x4xf32, #tpu.memory_space<hbm>>) target(%dma_start3A_234 : memref<128x4xf32, #tpu.memory_space<vmem>>) offsets(%dma_start3A_237 : memref<128xi32, #tpu.memory_space<vmem>>) semaphore(%arg11 : memref<!tpu.dma_semaphore, #tpu.memory_space<semaphore_mem>>)
      %dma_start3A_241 = arith.constant 11 : i32
      %dma_start3A_242 = arith.constant 1408 : i32
      %dma_start3A_243 = arith.constant 0 : i32
      %dma_start3A_244 = tpu.memref_slice %arg10[%dma_start3A_242, %dma_start3A_243] : memref<2048x4xf32, #tpu.memory_space<vmem>> -> memref<128x4xf32, #tpu.memory_space<vmem>>
      %dma_start3A_245 = arith.constant 0 : i32
      %dma_start3A_246 = tpu.memref_slice %arg8[%dma_start3A_241, %dma_start3A_245] : memref<16x128xi32, #tpu.memory_space<vmem>> -> memref<1x128xi32, #tpu.memory_space<vmem>>
      %dma_start3A_247 = tpu.memref_squeeze %dma_start3A_246 : memref<1x128xi32, #tpu.memory_space<vmem>> -> memref<128xi32, #tpu.memory_space<vmem>>
      %dma_start3A_248 = arith.constant 0 : i32
      %dma_start3A_249 = arith.constant 0 : i32
      %dma_start3A_250 = tpu.memref_slice %arg2[%dma_start3A_248, %dma_start3A_249] : memref<100000x4xf32, #tpu.memory_space<hbm>> -> memref<100000x4xf32, #tpu.memory_space<hbm>>
      tpu.enqueue_indirect_dma source(%dma_start3A_250 : memref<100000x4xf32, #tpu.memory_space<hbm>>) target(%dma_start3A_244 : memref<128x4xf32, #tpu.memory_space<vmem>>) offsets(%dma_start3A_247 : memref<128xi32, #tpu.memory_space<vmem>>) semaphore(%arg11 : memref<!tpu.dma_semaphore, #tpu.memory_space<semaphore_mem>>)
      %dma_start3A_251 = arith.constant 12 : i32
      %dma_start3A_252 = arith.constant 1536 : i32
      %dma_start3A_253 = arith.constant 0 : i32
      %dma_start3A_254 = tpu.memref_slice %arg9[%dma_start3A_252, %dma_start3A_253] : memref<2048x4xf32, #tpu.memory_space<vmem>> -> memref<128x4xf32, #tpu.memory_space<vmem>>
      %dma_start3A_255 = arith.constant 0 : i32
      %dma_start3A_256 = tpu.memref_slice %arg7[%dma_start3A_251, %dma_start3A_255] : memref<16x128xi32, #tpu.memory_space<vmem>> -> memref<1x128xi32, #tpu.memory_space<vmem>>
      %dma_start3A_257 = tpu.memref_squeeze %dma_start3A_256 : memref<1x128xi32, #tpu.memory_space<vmem>> -> memref<128xi32, #tpu.memory_space<vmem>>
      %dma_start3A_258 = arith.constant 0 : i32
      %dma_start3A_259 = arith.constant 0 : i32
      %dma_start3A_260 = tpu.memref_slice %arg2[%dma_start3A_258, %dma_start3A_259] : memref<100000x4xf32, #tpu.memory_space<hbm>> -> memref<100000x4xf32, #tpu.memory_space<hbm>>
      tpu.enqueue_indirect_dma source(%dma_start3A_260 : memref<100000x4xf32, #tpu.memory_space<hbm>>) target(%dma_start3A_254 : memref<128x4xf32, #tpu.memory_space<vmem>>) offsets(%dma_start3A_257 : memref<128xi32, #tpu.memory_space<vmem>>) semaphore(%arg11 : memref<!tpu.dma_semaphore, #tpu.memory_space<semaphore_mem>>)
      %dma_start3A_261 = arith.constant 12 : i32
      %dma_start3A_262 = arith.constant 1536 : i32
      %dma_start3A_263 = arith.constant 0 : i32
      %dma_start3A_264 = tpu.memref_slice %arg10[%dma_start3A_262, %dma_start3A_263] : memref<2048x4xf32, #tpu.memory_space<vmem>> -> memref<128x4xf32, #tpu.memory_space<vmem>>
      %dma_start3A_265 = arith.constant 0 : i32
      %dma_start3A_266 = tpu.memref_slice %arg8[%dma_start3A_261, %dma_start3A_265] : memref<16x128xi32, #tpu.memory_space<vmem>> -> memref<1x128xi32, #tpu.memory_space<vmem>>
      %dma_start3A_267 = tpu.memref_squeeze %dma_start3A_266 : memref<1x128xi32, #tpu.memory_space<vmem>> -> memref<128xi32, #tpu.memory_space<vmem>>
      %dma_start3A_268 = arith.constant 0 : i32
      %dma_start3A_269 = arith.constant 0 : i32
      %dma_start3A_270 = tpu.memref_slice %arg2[%dma_start3A_268, %dma_start3A_269] : memref<100000x4xf32, #tpu.memory_space<hbm>> -> memref<100000x4xf32, #tpu.memory_space<hbm>>
      tpu.enqueue_indirect_dma source(%dma_start3A_270 : memref<100000x4xf32, #tpu.memory_space<hbm>>) target(%dma_start3A_264 : memref<128x4xf32, #tpu.memory_space<vmem>>) offsets(%dma_start3A_267 : memref<128xi32, #tpu.memory_space<vmem>>) semaphore(%arg11 : memref<!tpu.dma_semaphore, #tpu.memory_space<semaphore_mem>>)
      %dma_start3A_271 = arith.constant 13 : i32
      %dma_start3A_272 = arith.constant 1664 : i32
      %dma_start3A_273 = arith.constant 0 : i32
      %dma_start3A_274 = tpu.memref_slice %arg9[%dma_start3A_272, %dma_start3A_273] : memref<2048x4xf32, #tpu.memory_space<vmem>> -> memref<128x4xf32, #tpu.memory_space<vmem>>
      %dma_start3A_275 = arith.constant 0 : i32
      %dma_start3A_276 = tpu.memref_slice %arg7[%dma_start3A_271, %dma_start3A_275] : memref<16x128xi32, #tpu.memory_space<vmem>> -> memref<1x128xi32, #tpu.memory_space<vmem>>
      %dma_start3A_277 = tpu.memref_squeeze %dma_start3A_276 : memref<1x128xi32, #tpu.memory_space<vmem>> -> memref<128xi32, #tpu.memory_space<vmem>>
      %dma_start3A_278 = arith.constant 0 : i32
      %dma_start3A_279 = arith.constant 0 : i32
      %dma_start3A_280 = tpu.memref_slice %arg2[%dma_start3A_278, %dma_start3A_279] : memref<100000x4xf32, #tpu.memory_space<hbm>> -> memref<100000x4xf32, #tpu.memory_space<hbm>>
      tpu.enqueue_indirect_dma source(%dma_start3A_280 : memref<100000x4xf32, #tpu.memory_space<hbm>>) target(%dma_start3A_274 : memref<128x4xf32, #tpu.memory_space<vmem>>) offsets(%dma_start3A_277 : memref<128xi32, #tpu.memory_space<vmem>>) semaphore(%arg11 : memref<!tpu.dma_semaphore, #tpu.memory_space<semaphore_mem>>)
      %dma_start3A_281 = arith.constant 13 : i32
      %dma_start3A_282 = arith.constant 1664 : i32
      %dma_start3A_283 = arith.constant 0 : i32
      %dma_start3A_284 = tpu.memref_slice %arg10[%dma_start3A_282, %dma_start3A_283] : memref<2048x4xf32, #tpu.memory_space<vmem>> -> memref<128x4xf32, #tpu.memory_space<vmem>>
      %dma_start3A_285 = arith.constant 0 : i32
      %dma_start3A_286 = tpu.memref_slice %arg8[%dma_start3A_281, %dma_start3A_285] : memref<16x128xi32, #tpu.memory_space<vmem>> -> memref<1x128xi32, #tpu.memory_space<vmem>>
      %dma_start3A_287 = tpu.memref_squeeze %dma_start3A_286 : memref<1x128xi32, #tpu.memory_space<vmem>> -> memref<128xi32, #tpu.memory_space<vmem>>
      %dma_start3A_288 = arith.constant 0 : i32
      %dma_start3A_289 = arith.constant 0 : i32
      %dma_start3A_290 = tpu.memref_slice %arg2[%dma_start3A_288, %dma_start3A_289] : memref<100000x4xf32, #tpu.memory_space<hbm>> -> memref<100000x4xf32, #tpu.memory_space<hbm>>
      tpu.enqueue_indirect_dma source(%dma_start3A_290 : memref<100000x4xf32, #tpu.memory_space<hbm>>) target(%dma_start3A_284 : memref<128x4xf32, #tpu.memory_space<vmem>>) offsets(%dma_start3A_287 : memref<128xi32, #tpu.memory_space<vmem>>) semaphore(%arg11 : memref<!tpu.dma_semaphore, #tpu.memory_space<semaphore_mem>>)
      %dma_start3A_291 = arith.constant 14 : i32
      %dma_start3A_292 = arith.constant 1792 : i32
      %dma_start3A_293 = arith.constant 0 : i32
      %dma_start3A_294 = tpu.memref_slice %arg9[%dma_start3A_292, %dma_start3A_293] : memref<2048x4xf32, #tpu.memory_space<vmem>> -> memref<128x4xf32, #tpu.memory_space<vmem>>
      %dma_start3A_295 = arith.constant 0 : i32
      %dma_start3A_296 = tpu.memref_slice %arg7[%dma_start3A_291, %dma_start3A_295] : memref<16x128xi32, #tpu.memory_space<vmem>> -> memref<1x128xi32, #tpu.memory_space<vmem>>
      %dma_start3A_297 = tpu.memref_squeeze %dma_start3A_296 : memref<1x128xi32, #tpu.memory_space<vmem>> -> memref<128xi32, #tpu.memory_space<vmem>>
      %dma_start3A_298 = arith.constant 0 : i32
      %dma_start3A_299 = arith.constant 0 : i32
      %dma_start3A_300 = tpu.memref_slice %arg2[%dma_start3A_298, %dma_start3A_299] : memref<100000x4xf32, #tpu.memory_space<hbm>> -> memref<100000x4xf32, #tpu.memory_space<hbm>>
      tpu.enqueue_indirect_dma source(%dma_start3A_300 : memref<100000x4xf32, #tpu.memory_space<hbm>>) target(%dma_start3A_294 : memref<128x4xf32, #tpu.memory_space<vmem>>) offsets(%dma_start3A_297 : memref<128xi32, #tpu.memory_space<vmem>>) semaphore(%arg11 : memref<!tpu.dma_semaphore, #tpu.memory_space<semaphore_mem>>)
      %dma_start3A_301 = arith.constant 14 : i32
      %dma_start3A_302 = arith.constant 1792 : i32
      %dma_start3A_303 = arith.constant 0 : i32
      %dma_start3A_304 = tpu.memref_slice %arg10[%dma_start3A_302, %dma_start3A_303] : memref<2048x4xf32, #tpu.memory_space<vmem>> -> memref<128x4xf32, #tpu.memory_space<vmem>>
      %dma_start3A_305 = arith.constant 0 : i32
      %dma_start3A_306 = tpu.memref_slice %arg8[%dma_start3A_301, %dma_start3A_305] : memref<16x128xi32, #tpu.memory_space<vmem>> -> memref<1x128xi32, #tpu.memory_space<vmem>>
      %dma_start3A_307 = tpu.memref_squeeze %dma_start3A_306 : memref<1x128xi32, #tpu.memory_space<vmem>> -> memref<128xi32, #tpu.memory_space<vmem>>
      %dma_start3A_308 = arith.constant 0 : i32
      %dma_start3A_309 = arith.constant 0 : i32
      %dma_start3A_310 = tpu.memref_slice %arg2[%dma_start3A_308, %dma_start3A_309] : memref<100000x4xf32, #tpu.memory_space<hbm>> -> memref<100000x4xf32, #tpu.memory_space<hbm>>
      tpu.enqueue_indirect_dma source(%dma_start3A_310 : memref<100000x4xf32, #tpu.memory_space<hbm>>) target(%dma_start3A_304 : memref<128x4xf32, #tpu.memory_space<vmem>>) offsets(%dma_start3A_307 : memref<128xi32, #tpu.memory_space<vmem>>) semaphore(%arg11 : memref<!tpu.dma_semaphore, #tpu.memory_space<semaphore_mem>>)
      %dma_start3A_311 = arith.constant 15 : i32
      %dma_start3A_312 = arith.constant 1920 : i32
      %dma_start3A_313 = arith.constant 0 : i32
      %dma_start3A_314 = tpu.memref_slice %arg9[%dma_start3A_312, %dma_start3A_313] : memref<2048x4xf32, #tpu.memory_space<vmem>> -> memref<128x4xf32, #tpu.memory_space<vmem>>
      %dma_start3A_315 = arith.constant 0 : i32
      %dma_start3A_316 = tpu.memref_slice %arg7[%dma_start3A_311, %dma_start3A_315] : memref<16x128xi32, #tpu.memory_space<vmem>> -> memref<1x128xi32, #tpu.memory_space<vmem>>
      %dma_start3A_317 = tpu.memref_squeeze %dma_start3A_316 : memref<1x128xi32, #tpu.memory_space<vmem>> -> memref<128xi32, #tpu.memory_space<vmem>>
      %dma_start3A_318 = arith.constant 0 : i32
      %dma_start3A_319 = arith.constant 0 : i32
      %dma_start3A_320 = tpu.memref_slice %arg2[%dma_start3A_318, %dma_start3A_319] : memref<100000x4xf32, #tpu.memory_space<hbm>> -> memref<100000x4xf32, #tpu.memory_space<hbm>>
      tpu.enqueue_indirect_dma source(%dma_start3A_320 : memref<100000x4xf32, #tpu.memory_space<hbm>>) target(%dma_start3A_314 : memref<128x4xf32, #tpu.memory_space<vmem>>) offsets(%dma_start3A_317 : memref<128xi32, #tpu.memory_space<vmem>>) semaphore(%arg11 : memref<!tpu.dma_semaphore, #tpu.memory_space<semaphore_mem>>)
      %dma_start3A_321 = arith.constant 15 : i32
      %dma_start3A_322 = arith.constant 1920 : i32
      %dma_start3A_323 = arith.constant 0 : i32
      %dma_start3A_324 = tpu.memref_slice %arg10[%dma_start3A_322, %dma_start3A_323] : memref<2048x4xf32, #tpu.memory_space<vmem>> -> memref<128x4xf32, #tpu.memory_space<vmem>>
      %dma_start3A_325 = arith.constant 0 : i32
      %dma_start3A_326 = tpu.memref_slice %arg8[%dma_start3A_321, %dma_start3A_325] : memref<16x128xi32, #tpu.memory_space<vmem>> -> memref<1x128xi32, #tpu.memory_space<vmem>>
      %dma_start3A_327 = tpu.memref_squeeze %dma_start3A_326 : memref<1x128xi32, #tpu.memory_space<vmem>> -> memref<128xi32, #tpu.memory_space<vmem>>
      %dma_start3A_328 = arith.constant 0 : i32
      %dma_start3A_329 = arith.constant 0 : i32
      %dma_start3A_330 = tpu.memref_slice %arg2[%dma_start3A_328, %dma_start3A_329] : memref<100000x4xf32, #tpu.memory_space<hbm>> -> memref<100000x4xf32, #tpu.memory_space<hbm>>
      tpu.enqueue_indirect_dma source(%dma_start3A_330 : memref<100000x4xf32, #tpu.memory_space<hbm>>) target(%dma_start3A_324 : memref<128x4xf32, #tpu.memory_space<vmem>>) offsets(%dma_start3A_327 : memref<128xi32, #tpu.memory_space<vmem>>) semaphore(%arg11 : memref<!tpu.dma_semaphore, #tpu.memory_space<semaphore_mem>>)
      %dma_wait3A = arith.constant 0 : i32
      %dma_wait3A_331 = arith.constant 0 : i32
      %dma_wait3A_332 = arith.constant 0 : i32
      %dma_wait3A_333 = tpu.memref_slice %arg9[%dma_wait3A_331, %dma_wait3A_332] : memref<2048x4xf32, #tpu.memory_space<vmem>> -> memref<128x4xf32, #tpu.memory_space<vmem>>
      %dma_wait3A_334 = arith.constant 0 : i32
      %dma_wait3A_335 = tpu.memref_slice %arg7[%dma_wait3A, %dma_wait3A_334] : memref<16x128xi32, #tpu.memory_space<vmem>> -> memref<1x128xi32, #tpu.memory_space<vmem>>
      %dma_wait3A_336 = tpu.memref_squeeze %dma_wait3A_335 : memref<1x128xi32, #tpu.memory_space<vmem>> -> memref<128xi32, #tpu.memory_space<vmem>>
      %dma_wait3A_337 = arith.constant 0 : i32
      %dma_wait3A_338 = arith.constant 0 : i32
      %dma_wait3A_339 = tpu.memref_slice %arg2[%dma_wait3A_337, %dma_wait3A_338] : memref<100000x4xf32, #tpu.memory_space<hbm>> -> memref<100000x4xf32, #tpu.memory_space<hbm>>
      tpu.wait_indirect_dma semaphore(%arg11 : memref<!tpu.dma_semaphore, #tpu.memory_space<semaphore_mem>>) src(%dma_wait3A_339 : memref<100000x4xf32, #tpu.memory_space<hbm>>) dst(%dma_wait3A_333 : memref<128x4xf32, #tpu.memory_space<vmem>>)
      %dma_wait3A_340 = arith.constant 0 : i32
      %dma_wait3A_341 = arith.constant 0 : i32
      %dma_wait3A_342 = arith.constant 0 : i32
      %dma_wait3A_343 = tpu.memref_slice %arg10[%dma_wait3A_341, %dma_wait3A_342] : memref<2048x4xf32, #tpu.memory_space<vmem>> -> memref<128x4xf32, #tpu.memory_space<vmem>>
      %dma_wait3A_344 = arith.constant 0 : i32
      %dma_wait3A_345 = tpu.memref_slice %arg8[%dma_wait3A_340, %dma_wait3A_344] : memref<16x128xi32, #tpu.memory_space<vmem>> -> memref<1x128xi32, #tpu.memory_space<vmem>>
      %dma_wait3A_346 = tpu.memref_squeeze %dma_wait3A_345 : memref<1x128xi32, #tpu.memory_space<vmem>> -> memref<128xi32, #tpu.memory_space<vmem>>
      %dma_wait3A_347 = arith.constant 0 : i32
      %dma_wait3A_348 = arith.constant 0 : i32
      %dma_wait3A_349 = tpu.memref_slice %arg2[%dma_wait3A_347, %dma_wait3A_348] : memref<100000x4xf32, #tpu.memory_space<hbm>> -> memref<100000x4xf32, #tpu.memory_space<hbm>>
      tpu.wait_indirect_dma semaphore(%arg11 : memref<!tpu.dma_semaphore, #tpu.memory_space<semaphore_mem>>) src(%dma_wait3A_349 : memref<100000x4xf32, #tpu.memory_space<hbm>>) dst(%dma_wait3A_343 : memref<128x4xf32, #tpu.memory_space<vmem>>)
      %dma_wait3A_350 = arith.constant 1 : i32
      %dma_wait3A_351 = arith.constant 128 : i32
      %dma_wait3A_352 = arith.constant 0 : i32
      %dma_wait3A_353 = tpu.memref_slice %arg9[%dma_wait3A_351, %dma_wait3A_352] : memref<2048x4xf32, #tpu.memory_space<vmem>> -> memref<128x4xf32, #tpu.memory_space<vmem>>
      %dma_wait3A_354 = arith.constant 0 : i32
      %dma_wait3A_355 = tpu.memref_slice %arg7[%dma_wait3A_350, %dma_wait3A_354] : memref<16x128xi32, #tpu.memory_space<vmem>> -> memref<1x128xi32, #tpu.memory_space<vmem>>
      %dma_wait3A_356 = tpu.memref_squeeze %dma_wait3A_355 : memref<1x128xi32, #tpu.memory_space<vmem>> -> memref<128xi32, #tpu.memory_space<vmem>>
      %dma_wait3A_357 = arith.constant 0 : i32
      %dma_wait3A_358 = arith.constant 0 : i32
      %dma_wait3A_359 = tpu.memref_slice %arg2[%dma_wait3A_357, %dma_wait3A_358] : memref<100000x4xf32, #tpu.memory_space<hbm>> -> memref<100000x4xf32, #tpu.memory_space<hbm>>
      tpu.wait_indirect_dma semaphore(%arg11 : memref<!tpu.dma_semaphore, #tpu.memory_space<semaphore_mem>>) src(%dma_wait3A_359 : memref<100000x4xf32, #tpu.memory_space<hbm>>) dst(%dma_wait3A_353 : memref<128x4xf32, #tpu.memory_space<vmem>>)
      %dma_wait3A_360 = arith.constant 1 : i32
      %dma_wait3A_361 = arith.constant 128 : i32
      %dma_wait3A_362 = arith.constant 0 : i32
      %dma_wait3A_363 = tpu.memref_slice %arg10[%dma_wait3A_361, %dma_wait3A_362] : memref<2048x4xf32, #tpu.memory_space<vmem>> -> memref<128x4xf32, #tpu.memory_space<vmem>>
      %dma_wait3A_364 = arith.constant 0 : i32
      %dma_wait3A_365 = tpu.memref_slice %arg8[%dma_wait3A_360, %dma_wait3A_364] : memref<16x128xi32, #tpu.memory_space<vmem>> -> memref<1x128xi32, #tpu.memory_space<vmem>>
      %dma_wait3A_366 = tpu.memref_squeeze %dma_wait3A_365 : memref<1x128xi32, #tpu.memory_space<vmem>> -> memref<128xi32, #tpu.memory_space<vmem>>
      %dma_wait3A_367 = arith.constant 0 : i32
      %dma_wait3A_368 = arith.constant 0 : i32
      %dma_wait3A_369 = tpu.memref_slice %arg2[%dma_wait3A_367, %dma_wait3A_368] : memref<100000x4xf32, #tpu.memory_space<hbm>> -> memref<100000x4xf32, #tpu.memory_space<hbm>>
      tpu.wait_indirect_dma semaphore(%arg11 : memref<!tpu.dma_semaphore, #tpu.memory_space<semaphore_mem>>) src(%dma_wait3A_369 : memref<100000x4xf32, #tpu.memory_space<hbm>>) dst(%dma_wait3A_363 : memref<128x4xf32, #tpu.memory_space<vmem>>)
      %dma_wait3A_370 = arith.constant 2 : i32
      %dma_wait3A_371 = arith.constant 256 : i32
      %dma_wait3A_372 = arith.constant 0 : i32
      %dma_wait3A_373 = tpu.memref_slice %arg9[%dma_wait3A_371, %dma_wait3A_372] : memref<2048x4xf32, #tpu.memory_space<vmem>> -> memref<128x4xf32, #tpu.memory_space<vmem>>
      %dma_wait3A_374 = arith.constant 0 : i32
      %dma_wait3A_375 = tpu.memref_slice %arg7[%dma_wait3A_370, %dma_wait3A_374] : memref<16x128xi32, #tpu.memory_space<vmem>> -> memref<1x128xi32, #tpu.memory_space<vmem>>
      %dma_wait3A_376 = tpu.memref_squeeze %dma_wait3A_375 : memref<1x128xi32, #tpu.memory_space<vmem>> -> memref<128xi32, #tpu.memory_space<vmem>>
      %dma_wait3A_377 = arith.constant 0 : i32
      %dma_wait3A_378 = arith.constant 0 : i32
      %dma_wait3A_379 = tpu.memref_slice %arg2[%dma_wait3A_377, %dma_wait3A_378] : memref<100000x4xf32, #tpu.memory_space<hbm>> -> memref<100000x4xf32, #tpu.memory_space<hbm>>
      tpu.wait_indirect_dma semaphore(%arg11 : memref<!tpu.dma_semaphore, #tpu.memory_space<semaphore_mem>>) src(%dma_wait3A_379 : memref<100000x4xf32, #tpu.memory_space<hbm>>) dst(%dma_wait3A_373 : memref<128x4xf32, #tpu.memory_space<vmem>>)
      %dma_wait3A_380 = arith.constant 2 : i32
      %dma_wait3A_381 = arith.constant 256 : i32
      %dma_wait3A_382 = arith.constant 0 : i32
      %dma_wait3A_383 = tpu.memref_slice %arg10[%dma_wait3A_381, %dma_wait3A_382] : memref<2048x4xf32, #tpu.memory_space<vmem>> -> memref<128x4xf32, #tpu.memory_space<vmem>>
      %dma_wait3A_384 = arith.constant 0 : i32
      %dma_wait3A_385 = tpu.memref_slice %arg8[%dma_wait3A_380, %dma_wait3A_384] : memref<16x128xi32, #tpu.memory_space<vmem>> -> memref<1x128xi32, #tpu.memory_space<vmem>>
      %dma_wait3A_386 = tpu.memref_squeeze %dma_wait3A_385 : memref<1x128xi32, #tpu.memory_space<vmem>> -> memref<128xi32, #tpu.memory_space<vmem>>
      %dma_wait3A_387 = arith.constant 0 : i32
      %dma_wait3A_388 = arith.constant 0 : i32
      %dma_wait3A_389 = tpu.memref_slice %arg2[%dma_wait3A_387, %dma_wait3A_388] : memref<100000x4xf32, #tpu.memory_space<hbm>> -> memref<100000x4xf32, #tpu.memory_space<hbm>>
      tpu.wait_indirect_dma semaphore(%arg11 : memref<!tpu.dma_semaphore, #tpu.memory_space<semaphore_mem>>) src(%dma_wait3A_389 : memref<100000x4xf32, #tpu.memory_space<hbm>>) dst(%dma_wait3A_383 : memref<128x4xf32, #tpu.memory_space<vmem>>)
      %dma_wait3A_390 = arith.constant 3 : i32
      %dma_wait3A_391 = arith.constant 384 : i32
      %dma_wait3A_392 = arith.constant 0 : i32
      %dma_wait3A_393 = tpu.memref_slice %arg9[%dma_wait3A_391, %dma_wait3A_392] : memref<2048x4xf32, #tpu.memory_space<vmem>> -> memref<128x4xf32, #tpu.memory_space<vmem>>
      %dma_wait3A_394 = arith.constant 0 : i32
      %dma_wait3A_395 = tpu.memref_slice %arg7[%dma_wait3A_390, %dma_wait3A_394] : memref<16x128xi32, #tpu.memory_space<vmem>> -> memref<1x128xi32, #tpu.memory_space<vmem>>
      %dma_wait3A_396 = tpu.memref_squeeze %dma_wait3A_395 : memref<1x128xi32, #tpu.memory_space<vmem>> -> memref<128xi32, #tpu.memory_space<vmem>>
      %dma_wait3A_397 = arith.constant 0 : i32
      %dma_wait3A_398 = arith.constant 0 : i32
      %dma_wait3A_399 = tpu.memref_slice %arg2[%dma_wait3A_397, %dma_wait3A_398] : memref<100000x4xf32, #tpu.memory_space<hbm>> -> memref<100000x4xf32, #tpu.memory_space<hbm>>
      tpu.wait_indirect_dma semaphore(%arg11 : memref<!tpu.dma_semaphore, #tpu.memory_space<semaphore_mem>>) src(%dma_wait3A_399 : memref<100000x4xf32, #tpu.memory_space<hbm>>) dst(%dma_wait3A_393 : memref<128x4xf32, #tpu.memory_space<vmem>>)
      %dma_wait3A_400 = arith.constant 3 : i32
      %dma_wait3A_401 = arith.constant 384 : i32
      %dma_wait3A_402 = arith.constant 0 : i32
      %dma_wait3A_403 = tpu.memref_slice %arg10[%dma_wait3A_401, %dma_wait3A_402] : memref<2048x4xf32, #tpu.memory_space<vmem>> -> memref<128x4xf32, #tpu.memory_space<vmem>>
      %dma_wait3A_404 = arith.constant 0 : i32
      %dma_wait3A_405 = tpu.memref_slice %arg8[%dma_wait3A_400, %dma_wait3A_404] : memref<16x128xi32, #tpu.memory_space<vmem>> -> memref<1x128xi32, #tpu.memory_space<vmem>>
      %dma_wait3A_406 = tpu.memref_squeeze %dma_wait3A_405 : memref<1x128xi32, #tpu.memory_space<vmem>> -> memref<128xi32, #tpu.memory_space<vmem>>
      %dma_wait3A_407 = arith.constant 0 : i32
      %dma_wait3A_408 = arith.constant 0 : i32
      %dma_wait3A_409 = tpu.memref_slice %arg2[%dma_wait3A_407, %dma_wait3A_408] : memref<100000x4xf32, #tpu.memory_space<hbm>> -> memref<100000x4xf32, #tpu.memory_space<hbm>>
      tpu.wait_indirect_dma semaphore(%arg11 : memref<!tpu.dma_semaphore, #tpu.memory_space<semaphore_mem>>) src(%dma_wait3A_409 : memref<100000x4xf32, #tpu.memory_space<hbm>>) dst(%dma_wait3A_403 : memref<128x4xf32, #tpu.memory_space<vmem>>)
      %dma_wait3A_410 = arith.constant 4 : i32
      %dma_wait3A_411 = arith.constant 512 : i32
      %dma_wait3A_412 = arith.constant 0 : i32
      %dma_wait3A_413 = tpu.memref_slice %arg9[%dma_wait3A_411, %dma_wait3A_412] : memref<2048x4xf32, #tpu.memory_space<vmem>> -> memref<128x4xf32, #tpu.memory_space<vmem>>
      %dma_wait3A_414 = arith.constant 0 : i32
      %dma_wait3A_415 = tpu.memref_slice %arg7[%dma_wait3A_410, %dma_wait3A_414] : memref<16x128xi32, #tpu.memory_space<vmem>> -> memref<1x128xi32, #tpu.memory_space<vmem>>
      %dma_wait3A_416 = tpu.memref_squeeze %dma_wait3A_415 : memref<1x128xi32, #tpu.memory_space<vmem>> -> memref<128xi32, #tpu.memory_space<vmem>>
      %dma_wait3A_417 = arith.constant 0 : i32
      %dma_wait3A_418 = arith.constant 0 : i32
      %dma_wait3A_419 = tpu.memref_slice %arg2[%dma_wait3A_417, %dma_wait3A_418] : memref<100000x4xf32, #tpu.memory_space<hbm>> -> memref<100000x4xf32, #tpu.memory_space<hbm>>
      tpu.wait_indirect_dma semaphore(%arg11 : memref<!tpu.dma_semaphore, #tpu.memory_space<semaphore_mem>>) src(%dma_wait3A_419 : memref<100000x4xf32, #tpu.memory_space<hbm>>) dst(%dma_wait3A_413 : memref<128x4xf32, #tpu.memory_space<vmem>>)
      %dma_wait3A_420 = arith.constant 4 : i32
      %dma_wait3A_421 = arith.constant 512 : i32
      %dma_wait3A_422 = arith.constant 0 : i32
      %dma_wait3A_423 = tpu.memref_slice %arg10[%dma_wait3A_421, %dma_wait3A_422] : memref<2048x4xf32, #tpu.memory_space<vmem>> -> memref<128x4xf32, #tpu.memory_space<vmem>>
      %dma_wait3A_424 = arith.constant 0 : i32
      %dma_wait3A_425 = tpu.memref_slice %arg8[%dma_wait3A_420, %dma_wait3A_424] : memref<16x128xi32, #tpu.memory_space<vmem>> -> memref<1x128xi32, #tpu.memory_space<vmem>>
      %dma_wait3A_426 = tpu.memref_squeeze %dma_wait3A_425 : memref<1x128xi32, #tpu.memory_space<vmem>> -> memref<128xi32, #tpu.memory_space<vmem>>
      %dma_wait3A_427 = arith.constant 0 : i32
      %dma_wait3A_428 = arith.constant 0 : i32
      %dma_wait3A_429 = tpu.memref_slice %arg2[%dma_wait3A_427, %dma_wait3A_428] : memref<100000x4xf32, #tpu.memory_space<hbm>> -> memref<100000x4xf32, #tpu.memory_space<hbm>>
      tpu.wait_indirect_dma semaphore(%arg11 : memref<!tpu.dma_semaphore, #tpu.memory_space<semaphore_mem>>) src(%dma_wait3A_429 : memref<100000x4xf32, #tpu.memory_space<hbm>>) dst(%dma_wait3A_423 : memref<128x4xf32, #tpu.memory_space<vmem>>)
      %dma_wait3A_430 = arith.constant 5 : i32
      %dma_wait3A_431 = arith.constant 640 : i32
      %dma_wait3A_432 = arith.constant 0 : i32
      %dma_wait3A_433 = tpu.memref_slice %arg9[%dma_wait3A_431, %dma_wait3A_432] : memref<2048x4xf32, #tpu.memory_space<vmem>> -> memref<128x4xf32, #tpu.memory_space<vmem>>
      %dma_wait3A_434 = arith.constant 0 : i32
      %dma_wait3A_435 = tpu.memref_slice %arg7[%dma_wait3A_430, %dma_wait3A_434] : memref<16x128xi32, #tpu.memory_space<vmem>> -> memref<1x128xi32, #tpu.memory_space<vmem>>
      %dma_wait3A_436 = tpu.memref_squeeze %dma_wait3A_435 : memref<1x128xi32, #tpu.memory_space<vmem>> -> memref<128xi32, #tpu.memory_space<vmem>>
      %dma_wait3A_437 = arith.constant 0 : i32
      %dma_wait3A_438 = arith.constant 0 : i32
      %dma_wait3A_439 = tpu.memref_slice %arg2[%dma_wait3A_437, %dma_wait3A_438] : memref<100000x4xf32, #tpu.memory_space<hbm>> -> memref<100000x4xf32, #tpu.memory_space<hbm>>
      tpu.wait_indirect_dma semaphore(%arg11 : memref<!tpu.dma_semaphore, #tpu.memory_space<semaphore_mem>>) src(%dma_wait3A_439 : memref<100000x4xf32, #tpu.memory_space<hbm>>) dst(%dma_wait3A_433 : memref<128x4xf32, #tpu.memory_space<vmem>>)
      %dma_wait3A_440 = arith.constant 5 : i32
      %dma_wait3A_441 = arith.constant 640 : i32
      %dma_wait3A_442 = arith.constant 0 : i32
      %dma_wait3A_443 = tpu.memref_slice %arg10[%dma_wait3A_441, %dma_wait3A_442] : memref<2048x4xf32, #tpu.memory_space<vmem>> -> memref<128x4xf32, #tpu.memory_space<vmem>>
      %dma_wait3A_444 = arith.constant 0 : i32
      %dma_wait3A_445 = tpu.memref_slice %arg8[%dma_wait3A_440, %dma_wait3A_444] : memref<16x128xi32, #tpu.memory_space<vmem>> -> memref<1x128xi32, #tpu.memory_space<vmem>>
      %dma_wait3A_446 = tpu.memref_squeeze %dma_wait3A_445 : memref<1x128xi32, #tpu.memory_space<vmem>> -> memref<128xi32, #tpu.memory_space<vmem>>
      %dma_wait3A_447 = arith.constant 0 : i32
      %dma_wait3A_448 = arith.constant 0 : i32
      %dma_wait3A_449 = tpu.memref_slice %arg2[%dma_wait3A_447, %dma_wait3A_448] : memref<100000x4xf32, #tpu.memory_space<hbm>> -> memref<100000x4xf32, #tpu.memory_space<hbm>>
      tpu.wait_indirect_dma semaphore(%arg11 : memref<!tpu.dma_semaphore, #tpu.memory_space<semaphore_mem>>) src(%dma_wait3A_449 : memref<100000x4xf32, #tpu.memory_space<hbm>>) dst(%dma_wait3A_443 : memref<128x4xf32, #tpu.memory_space<vmem>>)
      %dma_wait3A_450 = arith.constant 6 : i32
      %dma_wait3A_451 = arith.constant 768 : i32
      %dma_wait3A_452 = arith.constant 0 : i32
      %dma_wait3A_453 = tpu.memref_slice %arg9[%dma_wait3A_451, %dma_wait3A_452] : memref<2048x4xf32, #tpu.memory_space<vmem>> -> memref<128x4xf32, #tpu.memory_space<vmem>>
      %dma_wait3A_454 = arith.constant 0 : i32
      %dma_wait3A_455 = tpu.memref_slice %arg7[%dma_wait3A_450, %dma_wait3A_454] : memref<16x128xi32, #tpu.memory_space<vmem>> -> memref<1x128xi32, #tpu.memory_space<vmem>>
      %dma_wait3A_456 = tpu.memref_squeeze %dma_wait3A_455 : memref<1x128xi32, #tpu.memory_space<vmem>> -> memref<128xi32, #tpu.memory_space<vmem>>
      %dma_wait3A_457 = arith.constant 0 : i32
      %dma_wait3A_458 = arith.constant 0 : i32
      %dma_wait3A_459 = tpu.memref_slice %arg2[%dma_wait3A_457, %dma_wait3A_458] : memref<100000x4xf32, #tpu.memory_space<hbm>> -> memref<100000x4xf32, #tpu.memory_space<hbm>>
      tpu.wait_indirect_dma semaphore(%arg11 : memref<!tpu.dma_semaphore, #tpu.memory_space<semaphore_mem>>) src(%dma_wait3A_459 : memref<100000x4xf32, #tpu.memory_space<hbm>>) dst(%dma_wait3A_453 : memref<128x4xf32, #tpu.memory_space<vmem>>)
      %dma_wait3A_460 = arith.constant 6 : i32
      %dma_wait3A_461 = arith.constant 768 : i32
      %dma_wait3A_462 = arith.constant 0 : i32
      %dma_wait3A_463 = tpu.memref_slice %arg10[%dma_wait3A_461, %dma_wait3A_462] : memref<2048x4xf32, #tpu.memory_space<vmem>> -> memref<128x4xf32, #tpu.memory_space<vmem>>
      %dma_wait3A_464 = arith.constant 0 : i32
      %dma_wait3A_465 = tpu.memref_slice %arg8[%dma_wait3A_460, %dma_wait3A_464] : memref<16x128xi32, #tpu.memory_space<vmem>> -> memref<1x128xi32, #tpu.memory_space<vmem>>
      %dma_wait3A_466 = tpu.memref_squeeze %dma_wait3A_465 : memref<1x128xi32, #tpu.memory_space<vmem>> -> memref<128xi32, #tpu.memory_space<vmem>>
      %dma_wait3A_467 = arith.constant 0 : i32
      %dma_wait3A_468 = arith.constant 0 : i32
      %dma_wait3A_469 = tpu.memref_slice %arg2[%dma_wait3A_467, %dma_wait3A_468] : memref<100000x4xf32, #tpu.memory_space<hbm>> -> memref<100000x4xf32, #tpu.memory_space<hbm>>
      tpu.wait_indirect_dma semaphore(%arg11 : memref<!tpu.dma_semaphore, #tpu.memory_space<semaphore_mem>>) src(%dma_wait3A_469 : memref<100000x4xf32, #tpu.memory_space<hbm>>) dst(%dma_wait3A_463 : memref<128x4xf32, #tpu.memory_space<vmem>>)
      %dma_wait3A_470 = arith.constant 7 : i32
      %dma_wait3A_471 = arith.constant 896 : i32
      %dma_wait3A_472 = arith.constant 0 : i32
      %dma_wait3A_473 = tpu.memref_slice %arg9[%dma_wait3A_471, %dma_wait3A_472] : memref<2048x4xf32, #tpu.memory_space<vmem>> -> memref<128x4xf32, #tpu.memory_space<vmem>>
      %dma_wait3A_474 = arith.constant 0 : i32
      %dma_wait3A_475 = tpu.memref_slice %arg7[%dma_wait3A_470, %dma_wait3A_474] : memref<16x128xi32, #tpu.memory_space<vmem>> -> memref<1x128xi32, #tpu.memory_space<vmem>>
      %dma_wait3A_476 = tpu.memref_squeeze %dma_wait3A_475 : memref<1x128xi32, #tpu.memory_space<vmem>> -> memref<128xi32, #tpu.memory_space<vmem>>
      %dma_wait3A_477 = arith.constant 0 : i32
      %dma_wait3A_478 = arith.constant 0 : i32
      %dma_wait3A_479 = tpu.memref_slice %arg2[%dma_wait3A_477, %dma_wait3A_478] : memref<100000x4xf32, #tpu.memory_space<hbm>> -> memref<100000x4xf32, #tpu.memory_space<hbm>>
      tpu.wait_indirect_dma semaphore(%arg11 : memref<!tpu.dma_semaphore, #tpu.memory_space<semaphore_mem>>) src(%dma_wait3A_479 : memref<100000x4xf32, #tpu.memory_space<hbm>>) dst(%dma_wait3A_473 : memref<128x4xf32, #tpu.memory_space<vmem>>)
      %dma_wait3A_480 = arith.constant 7 : i32
      %dma_wait3A_481 = arith.constant 896 : i32
      %dma_wait3A_482 = arith.constant 0 : i32
      %dma_wait3A_483 = tpu.memref_slice %arg10[%dma_wait3A_481, %dma_wait3A_482] : memref<2048x4xf32, #tpu.memory_space<vmem>> -> memref<128x4xf32, #tpu.memory_space<vmem>>
      %dma_wait3A_484 = arith.constant 0 : i32
      %dma_wait3A_485 = tpu.memref_slice %arg8[%dma_wait3A_480, %dma_wait3A_484] : memref<16x128xi32, #tpu.memory_space<vmem>> -> memref<1x128xi32, #tpu.memory_space<vmem>>
      %dma_wait3A_486 = tpu.memref_squeeze %dma_wait3A_485 : memref<1x128xi32, #tpu.memory_space<vmem>> -> memref<128xi32, #tpu.memory_space<vmem>>
      %dma_wait3A_487 = arith.constant 0 : i32
      %dma_wait3A_488 = arith.constant 0 : i32
      %dma_wait3A_489 = tpu.memref_slice %arg2[%dma_wait3A_487, %dma_wait3A_488] : memref<100000x4xf32, #tpu.memory_space<hbm>> -> memref<100000x4xf32, #tpu.memory_space<hbm>>
      tpu.wait_indirect_dma semaphore(%arg11 : memref<!tpu.dma_semaphore, #tpu.memory_space<semaphore_mem>>) src(%dma_wait3A_489 : memref<100000x4xf32, #tpu.memory_space<hbm>>) dst(%dma_wait3A_483 : memref<128x4xf32, #tpu.memory_space<vmem>>)
      %dma_wait3A_490 = arith.constant 8 : i32
      %dma_wait3A_491 = arith.constant 1024 : i32
      %dma_wait3A_492 = arith.constant 0 : i32
      %dma_wait3A_493 = tpu.memref_slice %arg9[%dma_wait3A_491, %dma_wait3A_492] : memref<2048x4xf32, #tpu.memory_space<vmem>> -> memref<128x4xf32, #tpu.memory_space<vmem>>
      %dma_wait3A_494 = arith.constant 0 : i32
      %dma_wait3A_495 = tpu.memref_slice %arg7[%dma_wait3A_490, %dma_wait3A_494] : memref<16x128xi32, #tpu.memory_space<vmem>> -> memref<1x128xi32, #tpu.memory_space<vmem>>
      %dma_wait3A_496 = tpu.memref_squeeze %dma_wait3A_495 : memref<1x128xi32, #tpu.memory_space<vmem>> -> memref<128xi32, #tpu.memory_space<vmem>>
      %dma_wait3A_497 = arith.constant 0 : i32
      %dma_wait3A_498 = arith.constant 0 : i32
      %dma_wait3A_499 = tpu.memref_slice %arg2[%dma_wait3A_497, %dma_wait3A_498] : memref<100000x4xf32, #tpu.memory_space<hbm>> -> memref<100000x4xf32, #tpu.memory_space<hbm>>
      tpu.wait_indirect_dma semaphore(%arg11 : memref<!tpu.dma_semaphore, #tpu.memory_space<semaphore_mem>>) src(%dma_wait3A_499 : memref<100000x4xf32, #tpu.memory_space<hbm>>) dst(%dma_wait3A_493 : memref<128x4xf32, #tpu.memory_space<vmem>>)
      %dma_wait3A_500 = arith.constant 8 : i32
      %dma_wait3A_501 = arith.constant 1024 : i32
      %dma_wait3A_502 = arith.constant 0 : i32
      %dma_wait3A_503 = tpu.memref_slice %arg10[%dma_wait3A_501, %dma_wait3A_502] : memref<2048x4xf32, #tpu.memory_space<vmem>> -> memref<128x4xf32, #tpu.memory_space<vmem>>
      %dma_wait3A_504 = arith.constant 0 : i32
      %dma_wait3A_505 = tpu.memref_slice %arg8[%dma_wait3A_500, %dma_wait3A_504] : memref<16x128xi32, #tpu.memory_space<vmem>> -> memref<1x128xi32, #tpu.memory_space<vmem>>
      %dma_wait3A_506 = tpu.memref_squeeze %dma_wait3A_505 : memref<1x128xi32, #tpu.memory_space<vmem>> -> memref<128xi32, #tpu.memory_space<vmem>>
      %dma_wait3A_507 = arith.constant 0 : i32
      %dma_wait3A_508 = arith.constant 0 : i32
      %dma_wait3A_509 = tpu.memref_slice %arg2[%dma_wait3A_507, %dma_wait3A_508] : memref<100000x4xf32, #tpu.memory_space<hbm>> -> memref<100000x4xf32, #tpu.memory_space<hbm>>
      tpu.wait_indirect_dma semaphore(%arg11 : memref<!tpu.dma_semaphore, #tpu.memory_space<semaphore_mem>>) src(%dma_wait3A_509 : memref<100000x4xf32, #tpu.memory_space<hbm>>) dst(%dma_wait3A_503 : memref<128x4xf32, #tpu.memory_space<vmem>>)
      %dma_wait3A_510 = arith.constant 9 : i32
      %dma_wait3A_511 = arith.constant 1152 : i32
      %dma_wait3A_512 = arith.constant 0 : i32
      %dma_wait3A_513 = tpu.memref_slice %arg9[%dma_wait3A_511, %dma_wait3A_512] : memref<2048x4xf32, #tpu.memory_space<vmem>> -> memref<128x4xf32, #tpu.memory_space<vmem>>
      %dma_wait3A_514 = arith.constant 0 : i32
      %dma_wait3A_515 = tpu.memref_slice %arg7[%dma_wait3A_510, %dma_wait3A_514] : memref<16x128xi32, #tpu.memory_space<vmem>> -> memref<1x128xi32, #tpu.memory_space<vmem>>
      %dma_wait3A_516 = tpu.memref_squeeze %dma_wait3A_515 : memref<1x128xi32, #tpu.memory_space<vmem>> -> memref<128xi32, #tpu.memory_space<vmem>>
      %dma_wait3A_517 = arith.constant 0 : i32
      %dma_wait3A_518 = arith.constant 0 : i32
      %dma_wait3A_519 = tpu.memref_slice %arg2[%dma_wait3A_517, %dma_wait3A_518] : memref<100000x4xf32, #tpu.memory_space<hbm>> -> memref<100000x4xf32, #tpu.memory_space<hbm>>
      tpu.wait_indirect_dma semaphore(%arg11 : memref<!tpu.dma_semaphore, #tpu.memory_space<semaphore_mem>>) src(%dma_wait3A_519 : memref<100000x4xf32, #tpu.memory_space<hbm>>) dst(%dma_wait3A_513 : memref<128x4xf32, #tpu.memory_space<vmem>>)
      %dma_wait3A_520 = arith.constant 9 : i32
      %dma_wait3A_521 = arith.constant 1152 : i32
      %dma_wait3A_522 = arith.constant 0 : i32
      %dma_wait3A_523 = tpu.memref_slice %arg10[%dma_wait3A_521, %dma_wait3A_522] : memref<2048x4xf32, #tpu.memory_space<vmem>> -> memref<128x4xf32, #tpu.memory_space<vmem>>
      %dma_wait3A_524 = arith.constant 0 : i32
      %dma_wait3A_525 = tpu.memref_slice %arg8[%dma_wait3A_520, %dma_wait3A_524] : memref<16x128xi32, #tpu.memory_space<vmem>> -> memref<1x128xi32, #tpu.memory_space<vmem>>
      %dma_wait3A_526 = tpu.memref_squeeze %dma_wait3A_525 : memref<1x128xi32, #tpu.memory_space<vmem>> -> memref<128xi32, #tpu.memory_space<vmem>>
      %dma_wait3A_527 = arith.constant 0 : i32
      %dma_wait3A_528 = arith.constant 0 : i32
      %dma_wait3A_529 = tpu.memref_slice %arg2[%dma_wait3A_527, %dma_wait3A_528] : memref<100000x4xf32, #tpu.memory_space<hbm>> -> memref<100000x4xf32, #tpu.memory_space<hbm>>
      tpu.wait_indirect_dma semaphore(%arg11 : memref<!tpu.dma_semaphore, #tpu.memory_space<semaphore_mem>>) src(%dma_wait3A_529 : memref<100000x4xf32, #tpu.memory_space<hbm>>) dst(%dma_wait3A_523 : memref<128x4xf32, #tpu.memory_space<vmem>>)
      %dma_wait3A_530 = arith.constant 10 : i32
      %dma_wait3A_531 = arith.constant 1280 : i32
      %dma_wait3A_532 = arith.constant 0 : i32
      %dma_wait3A_533 = tpu.memref_slice %arg9[%dma_wait3A_531, %dma_wait3A_532] : memref<2048x4xf32, #tpu.memory_space<vmem>> -> memref<128x4xf32, #tpu.memory_space<vmem>>
      %dma_wait3A_534 = arith.constant 0 : i32
      %dma_wait3A_535 = tpu.memref_slice %arg7[%dma_wait3A_530, %dma_wait3A_534] : memref<16x128xi32, #tpu.memory_space<vmem>> -> memref<1x128xi32, #tpu.memory_space<vmem>>
      %dma_wait3A_536 = tpu.memref_squeeze %dma_wait3A_535 : memref<1x128xi32, #tpu.memory_space<vmem>> -> memref<128xi32, #tpu.memory_space<vmem>>
      %dma_wait3A_537 = arith.constant 0 : i32
      %dma_wait3A_538 = arith.constant 0 : i32
      %dma_wait3A_539 = tpu.memref_slice %arg2[%dma_wait3A_537, %dma_wait3A_538] : memref<100000x4xf32, #tpu.memory_space<hbm>> -> memref<100000x4xf32, #tpu.memory_space<hbm>>
      tpu.wait_indirect_dma semaphore(%arg11 : memref<!tpu.dma_semaphore, #tpu.memory_space<semaphore_mem>>) src(%dma_wait3A_539 : memref<100000x4xf32, #tpu.memory_space<hbm>>) dst(%dma_wait3A_533 : memref<128x4xf32, #tpu.memory_space<vmem>>)
      %dma_wait3A_540 = arith.constant 10 : i32
      %dma_wait3A_541 = arith.constant 1280 : i32
      %dma_wait3A_542 = arith.constant 0 : i32
      %dma_wait3A_543 = tpu.memref_slice %arg10[%dma_wait3A_541, %dma_wait3A_542] : memref<2048x4xf32, #tpu.memory_space<vmem>> -> memref<128x4xf32, #tpu.memory_space<vmem>>
      %dma_wait3A_544 = arith.constant 0 : i32
      %dma_wait3A_545 = tpu.memref_slice %arg8[%dma_wait3A_540, %dma_wait3A_544] : memref<16x128xi32, #tpu.memory_space<vmem>> -> memref<1x128xi32, #tpu.memory_space<vmem>>
      %dma_wait3A_546 = tpu.memref_squeeze %dma_wait3A_545 : memref<1x128xi32, #tpu.memory_space<vmem>> -> memref<128xi32, #tpu.memory_space<vmem>>
      %dma_wait3A_547 = arith.constant 0 : i32
      %dma_wait3A_548 = arith.constant 0 : i32
      %dma_wait3A_549 = tpu.memref_slice %arg2[%dma_wait3A_547, %dma_wait3A_548] : memref<100000x4xf32, #tpu.memory_space<hbm>> -> memref<100000x4xf32, #tpu.memory_space<hbm>>
      tpu.wait_indirect_dma semaphore(%arg11 : memref<!tpu.dma_semaphore, #tpu.memory_space<semaphore_mem>>) src(%dma_wait3A_549 : memref<100000x4xf32, #tpu.memory_space<hbm>>) dst(%dma_wait3A_543 : memref<128x4xf32, #tpu.memory_space<vmem>>)
      %dma_wait3A_550 = arith.constant 11 : i32
      %dma_wait3A_551 = arith.constant 1408 : i32
      %dma_wait3A_552 = arith.constant 0 : i32
      %dma_wait3A_553 = tpu.memref_slice %arg9[%dma_wait3A_551, %dma_wait3A_552] : memref<2048x4xf32, #tpu.memory_space<vmem>> -> memref<128x4xf32, #tpu.memory_space<vmem>>
      %dma_wait3A_554 = arith.constant 0 : i32
      %dma_wait3A_555 = tpu.memref_slice %arg7[%dma_wait3A_550, %dma_wait3A_554] : memref<16x128xi32, #tpu.memory_space<vmem>> -> memref<1x128xi32, #tpu.memory_space<vmem>>
      %dma_wait3A_556 = tpu.memref_squeeze %dma_wait3A_555 : memref<1x128xi32, #tpu.memory_space<vmem>> -> memref<128xi32, #tpu.memory_space<vmem>>
      %dma_wait3A_557 = arith.constant 0 : i32
      %dma_wait3A_558 = arith.constant 0 : i32
      %dma_wait3A_559 = tpu.memref_slice %arg2[%dma_wait3A_557, %dma_wait3A_558] : memref<100000x4xf32, #tpu.memory_space<hbm>> -> memref<100000x4xf32, #tpu.memory_space<hbm>>
      tpu.wait_indirect_dma semaphore(%arg11 : memref<!tpu.dma_semaphore, #tpu.memory_space<semaphore_mem>>) src(%dma_wait3A_559 : memref<100000x4xf32, #tpu.memory_space<hbm>>) dst(%dma_wait3A_553 : memref<128x4xf32, #tpu.memory_space<vmem>>)
      %dma_wait3A_560 = arith.constant 11 : i32
      %dma_wait3A_561 = arith.constant 1408 : i32
      %dma_wait3A_562 = arith.constant 0 : i32
      %dma_wait3A_563 = tpu.memref_slice %arg10[%dma_wait3A_561, %dma_wait3A_562] : memref<2048x4xf32, #tpu.memory_space<vmem>> -> memref<128x4xf32, #tpu.memory_space<vmem>>
      %dma_wait3A_564 = arith.constant 0 : i32
      %dma_wait3A_565 = tpu.memref_slice %arg8[%dma_wait3A_560, %dma_wait3A_564] : memref<16x128xi32, #tpu.memory_space<vmem>> -> memref<1x128xi32, #tpu.memory_space<vmem>>
      %dma_wait3A_566 = tpu.memref_squeeze %dma_wait3A_565 : memref<1x128xi32, #tpu.memory_space<vmem>> -> memref<128xi32, #tpu.memory_space<vmem>>
      %dma_wait3A_567 = arith.constant 0 : i32
      %dma_wait3A_568 = arith.constant 0 : i32
      %dma_wait3A_569 = tpu.memref_slice %arg2[%dma_wait3A_567, %dma_wait3A_568] : memref<100000x4xf32, #tpu.memory_space<hbm>> -> memref<100000x4xf32, #tpu.memory_space<hbm>>
      tpu.wait_indirect_dma semaphore(%arg11 : memref<!tpu.dma_semaphore, #tpu.memory_space<semaphore_mem>>) src(%dma_wait3A_569 : memref<100000x4xf32, #tpu.memory_space<hbm>>) dst(%dma_wait3A_563 : memref<128x4xf32, #tpu.memory_space<vmem>>)
      %dma_wait3A_570 = arith.constant 12 : i32
      %dma_wait3A_571 = arith.constant 1536 : i32
      %dma_wait3A_572 = arith.constant 0 : i32
      %dma_wait3A_573 = tpu.memref_slice %arg9[%dma_wait3A_571, %dma_wait3A_572] : memref<2048x4xf32, #tpu.memory_space<vmem>> -> memref<128x4xf32, #tpu.memory_space<vmem>>
      %dma_wait3A_574 = arith.constant 0 : i32
      %dma_wait3A_575 = tpu.memref_slice %arg7[%dma_wait3A_570, %dma_wait3A_574] : memref<16x128xi32, #tpu.memory_space<vmem>> -> memref<1x128xi32, #tpu.memory_space<vmem>>
      %dma_wait3A_576 = tpu.memref_squeeze %dma_wait3A_575 : memref<1x128xi32, #tpu.memory_space<vmem>> -> memref<128xi32, #tpu.memory_space<vmem>>
      %dma_wait3A_577 = arith.constant 0 : i32
      %dma_wait3A_578 = arith.constant 0 : i32
      %dma_wait3A_579 = tpu.memref_slice %arg2[%dma_wait3A_577, %dma_wait3A_578] : memref<100000x4xf32, #tpu.memory_space<hbm>> -> memref<100000x4xf32, #tpu.memory_space<hbm>>
      tpu.wait_indirect_dma semaphore(%arg11 : memref<!tpu.dma_semaphore, #tpu.memory_space<semaphore_mem>>) src(%dma_wait3A_579 : memref<100000x4xf32, #tpu.memory_space<hbm>>) dst(%dma_wait3A_573 : memref<128x4xf32, #tpu.memory_space<vmem>>)
      %dma_wait3A_580 = arith.constant 12 : i32
      %dma_wait3A_581 = arith.constant 1536 : i32
      %dma_wait3A_582 = arith.constant 0 : i32
      %dma_wait3A_583 = tpu.memref_slice %arg10[%dma_wait3A_581, %dma_wait3A_582] : memref<2048x4xf32, #tpu.memory_space<vmem>> -> memref<128x4xf32, #tpu.memory_space<vmem>>
      %dma_wait3A_584 = arith.constant 0 : i32
      %dma_wait3A_585 = tpu.memref_slice %arg8[%dma_wait3A_580, %dma_wait3A_584] : memref<16x128xi32, #tpu.memory_space<vmem>> -> memref<1x128xi32, #tpu.memory_space<vmem>>
      %dma_wait3A_586 = tpu.memref_squeeze %dma_wait3A_585 : memref<1x128xi32, #tpu.memory_space<vmem>> -> memref<128xi32, #tpu.memory_space<vmem>>
      %dma_wait3A_587 = arith.constant 0 : i32
      %dma_wait3A_588 = arith.constant 0 : i32
      %dma_wait3A_589 = tpu.memref_slice %arg2[%dma_wait3A_587, %dma_wait3A_588] : memref<100000x4xf32, #tpu.memory_space<hbm>> -> memref<100000x4xf32, #tpu.memory_space<hbm>>
      tpu.wait_indirect_dma semaphore(%arg11 : memref<!tpu.dma_semaphore, #tpu.memory_space<semaphore_mem>>) src(%dma_wait3A_589 : memref<100000x4xf32, #tpu.memory_space<hbm>>) dst(%dma_wait3A_583 : memref<128x4xf32, #tpu.memory_space<vmem>>)
      %dma_wait3A_590 = arith.constant 13 : i32
      %dma_wait3A_591 = arith.constant 1664 : i32
      %dma_wait3A_592 = arith.constant 0 : i32
      %dma_wait3A_593 = tpu.memref_slice %arg9[%dma_wait3A_591, %dma_wait3A_592] : memref<2048x4xf32, #tpu.memory_space<vmem>> -> memref<128x4xf32, #tpu.memory_space<vmem>>
      %dma_wait3A_594 = arith.constant 0 : i32
      %dma_wait3A_595 = tpu.memref_slice %arg7[%dma_wait3A_590, %dma_wait3A_594] : memref<16x128xi32, #tpu.memory_space<vmem>> -> memref<1x128xi32, #tpu.memory_space<vmem>>
      %dma_wait3A_596 = tpu.memref_squeeze %dma_wait3A_595 : memref<1x128xi32, #tpu.memory_space<vmem>> -> memref<128xi32, #tpu.memory_space<vmem>>
      %dma_wait3A_597 = arith.constant 0 : i32
      %dma_wait3A_598 = arith.constant 0 : i32
      %dma_wait3A_599 = tpu.memref_slice %arg2[%dma_wait3A_597, %dma_wait3A_598] : memref<100000x4xf32, #tpu.memory_space<hbm>> -> memref<100000x4xf32, #tpu.memory_space<hbm>>
      tpu.wait_indirect_dma semaphore(%arg11 : memref<!tpu.dma_semaphore, #tpu.memory_space<semaphore_mem>>) src(%dma_wait3A_599 : memref<100000x4xf32, #tpu.memory_space<hbm>>) dst(%dma_wait3A_593 : memref<128x4xf32, #tpu.memory_space<vmem>>)
      %dma_wait3A_600 = arith.constant 13 : i32
      %dma_wait3A_601 = arith.constant 1664 : i32
      %dma_wait3A_602 = arith.constant 0 : i32
      %dma_wait3A_603 = tpu.memref_slice %arg10[%dma_wait3A_601, %dma_wait3A_602] : memref<2048x4xf32, #tpu.memory_space<vmem>> -> memref<128x4xf32, #tpu.memory_space<vmem>>
      %dma_wait3A_604 = arith.constant 0 : i32
      %dma_wait3A_605 = tpu.memref_slice %arg8[%dma_wait3A_600, %dma_wait3A_604] : memref<16x128xi32, #tpu.memory_space<vmem>> -> memref<1x128xi32, #tpu.memory_space<vmem>>
      %dma_wait3A_606 = tpu.memref_squeeze %dma_wait3A_605 : memref<1x128xi32, #tpu.memory_space<vmem>> -> memref<128xi32, #tpu.memory_space<vmem>>
      %dma_wait3A_607 = arith.constant 0 : i32
      %dma_wait3A_608 = arith.constant 0 : i32
      %dma_wait3A_609 = tpu.memref_slice %arg2[%dma_wait3A_607, %dma_wait3A_608] : memref<100000x4xf32, #tpu.memory_space<hbm>> -> memref<100000x4xf32, #tpu.memory_space<hbm>>
      tpu.wait_indirect_dma semaphore(%arg11 : memref<!tpu.dma_semaphore, #tpu.memory_space<semaphore_mem>>) src(%dma_wait3A_609 : memref<100000x4xf32, #tpu.memory_space<hbm>>) dst(%dma_wait3A_603 : memref<128x4xf32, #tpu.memory_space<vmem>>)
      %dma_wait3A_610 = arith.constant 14 : i32
      %dma_wait3A_611 = arith.constant 1792 : i32
      %dma_wait3A_612 = arith.constant 0 : i32
      %dma_wait3A_613 = tpu.memref_slice %arg9[%dma_wait3A_611, %dma_wait3A_612] : memref<2048x4xf32, #tpu.memory_space<vmem>> -> memref<128x4xf32, #tpu.memory_space<vmem>>
      %dma_wait3A_614 = arith.constant 0 : i32
      %dma_wait3A_615 = tpu.memref_slice %arg7[%dma_wait3A_610, %dma_wait3A_614] : memref<16x128xi32, #tpu.memory_space<vmem>> -> memref<1x128xi32, #tpu.memory_space<vmem>>
      %dma_wait3A_616 = tpu.memref_squeeze %dma_wait3A_615 : memref<1x128xi32, #tpu.memory_space<vmem>> -> memref<128xi32, #tpu.memory_space<vmem>>
      %dma_wait3A_617 = arith.constant 0 : i32
      %dma_wait3A_618 = arith.constant 0 : i32
      %dma_wait3A_619 = tpu.memref_slice %arg2[%dma_wait3A_617, %dma_wait3A_618] : memref<100000x4xf32, #tpu.memory_space<hbm>> -> memref<100000x4xf32, #tpu.memory_space<hbm>>
      tpu.wait_indirect_dma semaphore(%arg11 : memref<!tpu.dma_semaphore, #tpu.memory_space<semaphore_mem>>) src(%dma_wait3A_619 : memref<100000x4xf32, #tpu.memory_space<hbm>>) dst(%dma_wait3A_613 : memref<128x4xf32, #tpu.memory_space<vmem>>)
      %dma_wait3A_620 = arith.constant 14 : i32
      %dma_wait3A_621 = arith.constant 1792 : i32
      %dma_wait3A_622 = arith.constant 0 : i32
      %dma_wait3A_623 = tpu.memref_slice %arg10[%dma_wait3A_621, %dma_wait3A_622] : memref<2048x4xf32, #tpu.memory_space<vmem>> -> memref<128x4xf32, #tpu.memory_space<vmem>>
      %dma_wait3A_624 = arith.constant 0 : i32
      %dma_wait3A_625 = tpu.memref_slice %arg8[%dma_wait3A_620, %dma_wait3A_624] : memref<16x128xi32, #tpu.memory_space<vmem>> -> memref<1x128xi32, #tpu.memory_space<vmem>>
      %dma_wait3A_626 = tpu.memref_squeeze %dma_wait3A_625 : memref<1x128xi32, #tpu.memory_space<vmem>> -> memref<128xi32, #tpu.memory_space<vmem>>
      %dma_wait3A_627 = arith.constant 0 : i32
      %dma_wait3A_628 = arith.constant 0 : i32
      %dma_wait3A_629 = tpu.memref_slice %arg2[%dma_wait3A_627, %dma_wait3A_628] : memref<100000x4xf32, #tpu.memory_space<hbm>> -> memref<100000x4xf32, #tpu.memory_space<hbm>>
      tpu.wait_indirect_dma semaphore(%arg11 : memref<!tpu.dma_semaphore, #tpu.memory_space<semaphore_mem>>) src(%dma_wait3A_629 : memref<100000x4xf32, #tpu.memory_space<hbm>>) dst(%dma_wait3A_623 : memref<128x4xf32, #tpu.memory_space<vmem>>)
      %dma_wait3A_630 = arith.constant 15 : i32
      %dma_wait3A_631 = arith.constant 1920 : i32
      %dma_wait3A_632 = arith.constant 0 : i32
      %dma_wait3A_633 = tpu.memref_slice %arg9[%dma_wait3A_631, %dma_wait3A_632] : memref<2048x4xf32, #tpu.memory_space<vmem>> -> memref<128x4xf32, #tpu.memory_space<vmem>>
      %dma_wait3A_634 = arith.constant 0 : i32
      %dma_wait3A_635 = tpu.memref_slice %arg7[%dma_wait3A_630, %dma_wait3A_634] : memref<16x128xi32, #tpu.memory_space<vmem>> -> memref<1x128xi32, #tpu.memory_space<vmem>>
      %dma_wait3A_636 = tpu.memref_squeeze %dma_wait3A_635 : memref<1x128xi32, #tpu.memory_space<vmem>> -> memref<128xi32, #tpu.memory_space<vmem>>
      %dma_wait3A_637 = arith.constant 0 : i32
      %dma_wait3A_638 = arith.constant 0 : i32
      %dma_wait3A_639 = tpu.memref_slice %arg2[%dma_wait3A_637, %dma_wait3A_638] : memref<100000x4xf32, #tpu.memory_space<hbm>> -> memref<100000x4xf32, #tpu.memory_space<hbm>>
      tpu.wait_indirect_dma semaphore(%arg11 : memref<!tpu.dma_semaphore, #tpu.memory_space<semaphore_mem>>) src(%dma_wait3A_639 : memref<100000x4xf32, #tpu.memory_space<hbm>>) dst(%dma_wait3A_633 : memref<128x4xf32, #tpu.memory_space<vmem>>)
      %dma_wait3A_640 = arith.constant 15 : i32
      %dma_wait3A_641 = arith.constant 1920 : i32
      %dma_wait3A_642 = arith.constant 0 : i32
      %dma_wait3A_643 = tpu.memref_slice %arg10[%dma_wait3A_641, %dma_wait3A_642] : memref<2048x4xf32, #tpu.memory_space<vmem>> -> memref<128x4xf32, #tpu.memory_space<vmem>>
      %dma_wait3A_644 = arith.constant 0 : i32
      %dma_wait3A_645 = tpu.memref_slice %arg8[%dma_wait3A_640, %dma_wait3A_644] : memref<16x128xi32, #tpu.memory_space<vmem>> -> memref<1x128xi32, #tpu.memory_space<vmem>>
      %dma_wait3A_646 = tpu.memref_squeeze %dma_wait3A_645 : memref<1x128xi32, #tpu.memory_space<vmem>> -> memref<128xi32, #tpu.memory_space<vmem>>
      %dma_wait3A_647 = arith.constant 0 : i32
      %dma_wait3A_648 = arith.constant 0 : i32
      %dma_wait3A_649 = tpu.memref_slice %arg2[%dma_wait3A_647, %dma_wait3A_648] : memref<100000x4xf32, #tpu.memory_space<hbm>> -> memref<100000x4xf32, #tpu.memory_space<hbm>>
      tpu.wait_indirect_dma semaphore(%arg11 : memref<!tpu.dma_semaphore, #tpu.memory_space<semaphore_mem>>) src(%dma_wait3A_649 : memref<100000x4xf32, #tpu.memory_space<hbm>>) dst(%dma_wait3A_643 : memref<128x4xf32, #tpu.memory_space<vmem>>)
      %mul3A_650 = arith.constant 128 : i32
      %mul3A_651 = arith.muli %add3A_11, %mul3A_650 : i32
      "tpu.region"() ({
        %run_scoped3A = tpu.sem_alloc : memref<!tpu.dma_semaphore, #tpu.memory_space<semaphore_mem>>
        %dma_start3A_654 = arith.constant 0 : i32
        %dma_start3A_655 = tpu.memref_slice %arg5[%mul3A_651, %dma_start3A_654] : memref<3276800x4xf32, #tpu.memory_space<hbm>> -> memref<2048x4xf32, #tpu.memory_space<hbm>>
        %dma_start3A_656 = arith.constant 0 : i32
        %dma_start3A_657 = tpu.memref_slice %arg5[%mul3A_651, %dma_start3A_656] : memref<3276800x4xf32, #tpu.memory_space<hbm>> -> memref<2048x4xf32, #tpu.memory_space<hbm>>
        tpu.enqueue_dma source(%arg9 : memref<2048x4xf32, #tpu.memory_space<vmem>>) target(%dma_start3A_657 : memref<2048x4xf32, #tpu.memory_space<hbm>>) target_semaphore(%run_scoped3A : memref<!tpu.dma_semaphore, #tpu.memory_space<semaphore_mem>>)
        %dma_wait3A_658 = arith.constant 0 : i32
        %dma_wait3A_659 = tpu.memref_slice %arg5[%mul3A_651, %dma_wait3A_658] : memref<3276800x4xf32, #tpu.memory_space<hbm>> -> memref<2048x4xf32, #tpu.memory_space<hbm>>
        %dma_wait3A_660 = arith.constant 0 : i32
        %dma_wait3A_661 = tpu.memref_slice %arg5[%mul3A_651, %dma_wait3A_660] : memref<3276800x4xf32, #tpu.memory_space<hbm>> -> memref<2048x4xf32, #tpu.memory_space<hbm>>
        tpu.wait_dma2 semaphore(%run_scoped3A : memref<!tpu.dma_semaphore, #tpu.memory_space<semaphore_mem>>) src(%arg9 : memref<2048x4xf32, #tpu.memory_space<vmem>>) dst(%dma_wait3A_661 : memref<2048x4xf32, #tpu.memory_space<hbm>>)
        tpu.yield
      }) : () -> ()
      %mul3A_652 = arith.constant 128 : i32
      %mul3A_653 = arith.muli %add3A_11, %mul3A_652 : i32
      "tpu.region"() ({
        %run_scoped3A = tpu.sem_alloc : memref<!tpu.dma_semaphore, #tpu.memory_space<semaphore_mem>>
        %dma_start3A_654 = arith.constant 0 : i32
        %dma_start3A_655 = tpu.memref_slice %arg6[%mul3A_653, %dma_start3A_654] : memref<3276800x4xf32, #tpu.memory_space<hbm>> -> memref<2048x4xf32, #tpu.memory_space<hbm>>
        %dma_start3A_656 = arith.constant 0 : i32
        %dma_start3A_657 = tpu.memref_slice %arg6[%mul3A_653, %dma_start3A_656] : memref<3276800x4xf32, #tpu.memory_space<hbm>> -> memref<2048x4xf32, #tpu.memory_space<hbm>>
        tpu.enqueue_dma source(%arg10 : memref<2048x4xf32, #tpu.memory_space<vmem>>) target(%dma_start3A_657 : memref<2048x4xf32, #tpu.memory_space<hbm>>) target_semaphore(%run_scoped3A : memref<!tpu.dma_semaphore, #tpu.memory_space<semaphore_mem>>)
        %dma_wait3A_658 = arith.constant 0 : i32
        %dma_wait3A_659 = tpu.memref_slice %arg6[%mul3A_653, %dma_wait3A_658] : memref<3276800x4xf32, #tpu.memory_space<hbm>> -> memref<2048x4xf32, #tpu.memory_space<hbm>>
        %dma_wait3A_660 = arith.constant 0 : i32
        %dma_wait3A_661 = tpu.memref_slice %arg6[%mul3A_653, %dma_wait3A_660] : memref<3276800x4xf32, #tpu.memory_space<hbm>> -> memref<2048x4xf32, #tpu.memory_space<hbm>>
        tpu.wait_dma2 semaphore(%run_scoped3A : memref<!tpu.dma_semaphore, #tpu.memory_space<semaphore_mem>>) src(%arg10 : memref<2048x4xf32, #tpu.memory_space<vmem>>) dst(%dma_wait3A_661 : memref<2048x4xf32, #tpu.memory_space<hbm>>)
        tpu.yield
      }) : () -> ()
    }
    %scan3A_7 = arith.constant 50 : i32
    return
  }
}

</mosaic_0001>

<sc_bundles>
// kernel: _sc_gather.3.cloned.1.call-start
scs
__scs_entry_jumppad:
0x0: {  	(pc) =	sbr.rel $0x88, $3  }
0x1: {  	(tag) =	ssettag $0x0;
	lr =	simm.s32 $0x1  }
0x2: {  	[smem:$0x3F9E] =	sst lr;
	_ =	strace $0xD0000000  }
0x3: {  	_ = 	snop  }
0x4: {  	_ = 	snop  }
0x5: {  	_ = 	snop  }
0x6: {  	_ = 	snop  }
0x7: {  	_ = 	snop  }
__scs_overlays_trampoline_lowered:
0x8: {  	[smem:$0x3FAD] =	sst s0  }
0x9: {  	[smem:$0x3FAE] =	sst s1  }
0xa: {  	[smem:$0x3FAF] =	sst s2  }
0xb: {  	[smem:$0x3FB0] =	sst s3  }
0xc: {  	[smem:$0x3FB1] =	sst s4  }
0xd: {  	[smem:$0x3FB2] =	sst s5  }
0xe: {  	[smem:$0x3FB3] =	sst s6  }
0xf: {  	[smem:$0x3FB4] =	sst s7  }
0x10: {  	[smem:$0x3FB5] =	sst s8  }
0x11: {  	[smem:$0x3FB6] =	sst s9;
	s0 =	simm.s32 @!p0 $0x0  }
0x12: {  	s1 =	sld [smem:$0x3F9C];
	s0 =	simm.s32 @p0 $0x1  }
0x13: {  	[smem:$0x3FB7] =	sst s0;
	s0 =	simm.s32 @!p1 $0x0  }
0x14: {  	s2 =	sld [smem:$0x3F9B];
	s0 =	simm.s32 @p1 $0x1  }
0x15: {  	[smem:$0x3FB8] =	sst s0;
	s0 =	simm.s32 @!p2 $0x0  }
0x16: {  	s3 =	sld [smem:$0x3FDB];
	s0 =	simm.s32 @p2 $0x1  }
0x17: {  	s4 =	simm.s32 $0x1BF5;
	[smem:$0x3FBA] =	sst s0  }
0x18: {  	s0 =	sld [smem:$0x3F9D];
	_ =	swait.ge [sflag:s4], $0x0  }
0x19: {  	s7 =	sld [smem:$0x3F9E]  }
0x1a: {  	s8 =	sadd.s32 $0xFFFFE003, lr  }
0x1b: {  	s9 =	sadd.s32 $0xFFFFFEF7, lr;
	s5 =	simm.s32 $0xFFFFFFFF;
	p2 =	slt.u32 s8, $0xFFFFF086  }
0x1c: {  	p1 =	slt.u32 s9, $0xF7A;
	s5 =	simm.s32 @!p2 $0x0  }
0x1d: {  	s5 =	simm.s32 @p1 $0x1;
	p0 =	seq.s32 s7, s2  }
0x1e: {  	s7 =	smul.u32 @!p0 $0xF7A, s2;
	p2 =	seq.s32 @!p0 s5, $0x0  }
0x1f: {  	s9 =	smul.u32 $0xF7A, s1;
	s8 =	simm.s32 @!p0 $0x1BF5;
	p2 =	por !p2, p0  }
0x20: {  	[sflag:s8] =	ssyncset.s32 @!p0 $0xFFFFF086;
	s6 =	sadd.s32 @!p0 s3, s7;
	s7 =	simm.s32 @!p0 $0x108  }
0x21: {  	s3 =	sadd.s32 s3, s9;
	s6 =	sadd.s32 @!p0 $0x88, s6;
	s7 =	simm.s32 @p2 $0x1082  }
0x22: {  	[simem:s7], [sflag:s8] =	dma.local @!p0 [hbm:s6], $0xF7A  }
0x23: {  	s9 =	sor.u32 $0xD0000000, s2;
	s6 =	simm.s32 $0x108;
	_ =	swait.ge @!p0 [sflag:s8], $0x0  }
0x24: {  	s3 =	sadd.s32 $0x88, s3;
	s6 =	simm.s32 @!p1 $0x1082;
	[sflag:s4] =	ssyncset.s32 $0xFFFFF086  }
0x25: {  	[simem:s6], [sflag:s4] =	dma.local [hbm:s3], $0xF7A  }
0x26: {  	[smem:$0x3F9E] =	sst s1;
	(tag) =	ssettag s2;
	_ =	strace s9  }
0x27: {  	s1 =	sld [smem:$0x3FAE]  }
0x28: {  	s2 =	sld [smem:$0x3FAF]  }
0x29: {  	s4 =	sld [smem:$0x3FB1]  }
0x2a: {  	p0 =	seq.s32 s5, $0x0;
	s5 =	sld [smem:$0x3FB2]  }
0x2b: {  	s6 =	sld [smem:$0x3FB3]  }
0x2c: {  	s7 =	sld [smem:$0x3FB4]  }
0x2d: {  	s3 =	simm.s32 $0x108;
	s8 =	sld [smem:$0x3FB5]  }
0x2e: {  	s3 =	simm.s32 @!p0 $0x1082;
	s9 =	sld [smem:$0x3FB6]  }
0x2f: {  	lr =	sadd.s32 s0, s3;
	s0 =	sld [smem:$0x3FAD]  }
0x30: {  	s3 =	sld [smem:$0x3FB0]  }
0x31: {  	[smem:$0x3FB9] =	sst s10  }
0x32: {  	s10 =	sld [smem:$0x3FB7];
	_ =	sdelay $0x3  }
0x33: {  	p0 =	seq.s32 s10, $0x1;
	s10 =	sld [smem:$0x3FB9];
	_ =	sdelay $0x3  }
0x34: {  	[smem:$0x3FB9] =	sst s10  }
0x35: {  	s10 =	sld [smem:$0x3FB8];
	_ =	sdelay $0x3  }
0x36: {  	p1 =	seq.s32 s10, $0x1;
	s10 =	sld [smem:$0x3FB9];
	_ =	sdelay $0x3  }
0x37: {  	[smem:$0x3FB9] =	sst s10  }
0x38: {  	s10 =	sld [smem:$0x3FBA]  }
0x39: {  	_ = 	snop;
	(pc) =	sbr.ind lr, $3  }
0x3a: {  	_ = 	snop  }
0x3b: {  	_ = 	snop  }
0x3c: {  	p2 =	seq.s32 s10, $0x1;
	s10 =	sld [smem:$0x3FB9]  }
0x3d: {  	_ =	shalt  }
0x3e: {  	_ =	shalt  }
0x3f: {  	_ =	shalt  }
0x40: {  	_ =	shalt  }
0x41: {  	_ =	shalt  }
0x42: {  	_ =	shalt  }
0x43: {  	_ =	shalt  }
0x44: {  	_ =	shalt  }
0x45: {  	_ =	shalt  }
0x46: {  	_ =	shalt  }
0x47: {  	_ =	shalt  }
0x48: {  	_ =	shalt  }
0x49: {  	_ =	shalt  }
0x4a: {  	_ =	shalt  }
0x4b: {  	_ =	shalt  }
0x4c: {  	_ =	shalt  }
0x4d: {  	_ =	shalt  }
0x4e: {  	_ =	shalt  }
0x4f: {  	_ =	shalt  }
0x50: {  	_ =	shalt  }
0x51: {  	_ =	shalt  }
0x52: {  	_ =	shalt  }
0x53: {  	_ =	shalt  }
0x54: {  	_ =	shalt  }
0x55: {  	_ =	shalt  }
0x56: {  	_ =	shalt  }
0x57: {  	_ =	shalt  }
0x58: {  	_ =	shalt  }
0x59: {  	_ =	shalt  }
0x5a: {  	_ =	shalt  }
0x5b: {  	_ =	shalt  }
0x5c: {  	_ =	shalt  }
0x5d: {  	_ =	shalt  }
0x5e: {  	_ =	shalt  }
0x5f: {  	_ =	shalt  }
0x60: {  	_ =	shalt  }
0x61: {  	_ =	shalt  }
0x62: {  	_ =	shalt  }
0x63: {  	_ =	shalt  }
0x64: {  	_ =	shalt  }
0x65: {  	_ =	shalt  }
0x66: {  	_ =	shalt  }
0x67: {  	_ =	shalt  }
0x68: {  	_ =	shalt  }
0x69: {  	_ =	shalt  }
0x6a: {  	_ =	shalt  }
0x6b: {  	_ =	shalt  }
0x6c: {  	_ =	shalt  }
0x6d: {  	_ =	shalt  }
0x6e: {  	_ =	shalt  }
0x6f: {  	_ =	shalt  }
0x70: {  	_ =	shalt  }
0x71: {  	_ =	shalt  }
0x72: {  	_ =	shalt  }
0x73: {  	_ =	shalt  }
0x74: {  	_ =	shalt  }
0x75: {  	_ =	shalt  }
0x76: {  	_ =	shalt  }
0x77: {  	_ =	shalt  }
0x78: {  	_ =	shalt  }
0x79: {  	_ =	shalt  }
0x7a: {  	_ =	shalt  }
0x7b: {  	_ =	shalt  }
0x7c: {  	_ =	shalt  }
0x7d: {  	_ =	shalt  }
0x7e: {  	_ =	shalt  }
0x7f: {  	_ =	shalt  }
0x80: {  	_ =	shalt  }
0x81: {  	_ =	shalt  }
0x82: {  	_ =	shalt  }
0x83: {  	_ =	shalt  }
0x84: {  	_ =	shalt  }
0x85: {  	_ =	shalt  }
0x86: {  	_ =	shalt  }
0x87: {  	_ =	shalt  }
.Lfunc_end0:
.L_simem_size_0:
called_computation.2_lowered:
.L_overlay_start_0:
0x88: {  	s2 =	sld [smem:$0x3FD9]  }
0x89: {  	s3 =	sld [smem:$0x3FFE];
	_ =	sdelay $0x1  }
0x8a: {  	s1 =	srdreg.scid  }
0x8b: {  	s0 =	sand.u32 $0x1, s1  }
0x8c: {  	s14 =	sshll.u32 s0, $0xA;
	s2 =	sadd.s32 s3, s2  }
0x8d: {  	s2 =	sadd.s32 s2, s14  }
0x8e: {  	[smem:$0x3FC5] =	sst s2  }
0x8f: {  	_ = 	snop  }
0x90: {  	s2 =	sld [smem:$0x3FD0];
	_ =	sdelay $0x1  }
0x91: {  	s15 =	sld [smem:$0x3FC8]  }
0x92: {  	s5 =	simm.s32 $0xB;
	s6 =	simm.s32 $0x10;
	s4 =	sld [smem:$0x3FC7]  }
0x93: {  	[smem:s6], [sflag:s5] =	dma.local [hbm:s2], $0x1  }
0x94: {  	_ =	swait.eq [sflag:s5], $0x1  }
0x95: {  	[sflag:s5] =	ssyncset.done $0x0  }
0x96: {  	[sflag:s5] =	ssyncadd.s32 $0xFFFFFFFF  }
0x97: {  	s16 =	sld [smem:$0x11];
	(tm) =	ssettm $0x1  }
0x98: {  	s17 =	sld [smem:$0x3FFB];
	_ =	sdelay $0x3  }
0x99: {  	_ =	strace s17  }
0x9a: {  	s5 =	sld [smem:$0x3FFC];
	_ =	sdelay $0x3  }
0x9b: {  	_ =	strace s5  }
0x9c: {  	s5 =	sld [smem:$0x3FFD];
	_ =	sdelay $0x3  }
0x9d: {  	_ =	strace s5  }
0x9e: {  	_ =	strace $0x8FFFFFFF  }
0x9f: {  	s18 =	sld [smem:$0x3FDB];
	_ =	sdelay $0x1  }
0xa0: {  	s19 =	simm.s32 $_scs_section_size  }
0xa1: {  	s7 =	simm.s32 $_size__tile_overlayer_lowered;
	s8 =	simm.s32 $_tile_overlayer_lowered  }
0xa2: {  	s22 =	simm.s32 $0x1BFF;
	s21 =	sshll.u32 s8, $0x1;
	s5 =	sadd.s32 s19, s18  }
0xa3: {  	s9 =	simm.s32 $0x0;
	s20 =	sshll.u32 s7, $0x1;
	s7 =	sadd.s32 s21, s5  }
0xa4: {  	[timem:s9], [sflag:s22] =	dma.local [hbm:s7], s20  }
0xa5: {  	_ =	swait.ge [sflag:s22], s20  }
0xa6: {  	s6 =	ssub.s32 $0x0, s20;
	[sflag:s22] =	ssyncset.done $0x0  }
0xa7: {  	[sflag:s22] =	ssyncadd.s32 s6;
	_ =	sdelay $0x1  }
0xa8: {  	s23 =	simm.s32 $0x1B8B  }
0xa9: {  	_ =	swait.ge [sflag:s23], $0x1  }
0xaa: {  	[sflag:s23] =	ssyncset.done $0x0  }
0xab: {  	s25 =	simm.s32 $0x1B8E;
	s24 =	sld [smem:$0x3FFE];
	[sflag:s23] =	ssyncadd.s32 $0xFFFFFFFF  }
0xac: {  	s26 =	simm.s32 $execute0_lowered;
	[smem:$0x3FD2] =	sst s25  }
0xad: {  	s7 =	sshll.u32 s26, $0x1;
	_ =	strace $0x80000046;
	[dreg:$0x1] =	wrdreg $0xFFFFFFFF  }
0xae: {  	s28 =	simm.s32 $_size_execute0_lowered;
	s5 =	sadd.s32 s5, s7;
	[dreg:$0x0] =	wrdreg $0x0  }
0xaf: {  	s7 =	sshll.u32 s28, $0x1;
	[dreg:$0x2] =	wrdreg s5  }
0xb0: {  	[dreg:$0x3] =	wrdreg s7  }
0xb1: {  	[dreg:$0x4] =	wrdreg $0xC0  }
0xb2: {  	_ =	task [dreg:s9], $0x5FFFF  }
0xb3: {  	[dreg:$0x1] =	wrdreg $0xFFFFFFFF  }
0xb4: {  	[dreg:$0x0] =	wrdreg $0x60  }
0xb5: {  	[dreg:$0x2] =	wrdreg s16  }
0xb6: {  	[dreg:$0x3] =	wrdreg s15  }
0xb7: {  	[dreg:$0x4] =	wrdreg s4  }
0xb8: {  	[dreg:$0x5] =	wrdreg s24  }
0xb9: {  	[dreg:$0x6] =	wrdreg $0x9  }
0xba: {  	_ =	task.clear_ibuf [dreg:s9], $0x7FFFF;
	_ =	strace $0x90000046  }
0xbb: {  	s29 =	simm.s32 $0x9;
	_ =	strace $0x80000048  }
0xbc: {  	_ =	swait.ge [sflag:s29], $0x1  }
0xbd: {  	[sflag:s29] =	ssyncadd.s32 $0xFFFFFFFF  }
0xbe: {  	_ =	strace $0x90000048  }
0xbf: {  	_ =	sfence  }
0xc0: {  	s30 =	sld [smem:$0x0];
	_ =	sdelay $0x2  }
0xc1: {  	s31 =	sshll.u32 s1, $0xD;
	s1 =	sshrl.u32 s1, $0x2  }
0xc2: {  	s3 =	sand.u32 $0x4000, s31;
	s1 =	sadd.s32 s1, s30  }
0xc3: {  	s0 =	sor.u32 s3, s0;
	s1 =	sshll.u32 s1, $0x11  }
0xc4: {  	s0 =	sor.u32 s1, s0  }
0xc5: {  	s0 =	sadd.s32 $0x8F2B, s0  }
0xc6: {  	[sflag:s0] =	ssyncadd.remote.s32 $0x1  }
0xc7: {  	_ =	sfence.sel $0xFFFF  }
0xc8: {  	[dreg:$0x0] =	wrdreg $0xFFFFFFFF;
	(pc) =	sbr.abs _section_cstart, $3  }
0xc9: {  	[dreg:$0x1] =	wrdreg $0xFFFFFFFF  }
0xca: {  	_ =	task.clear_ibuf [dreg:s9], $0x2FFFF;
	_ =	strace $0x9FFFFFFF  }
0xcb: {  	(tm) =	ssettm $0x7FFFFFFF  }
tec
execute0_lowered:
.L_overlay_start_1:
0x0: {  	(tag) =	ssettag $0x1  }
0x1: {  	s1 =	rddreg [dreg:$0x0]  }
0x2: {  	s5 =	rddreg [dreg:$0x1]  }
0x3: {  	s2 =	stileid.u32;
	s6 =	rddreg [dreg:$0x2]  }
0x4: {  	s3 =	simm.s32 $0x0;
	s4 =	smul.u32 $0x32000, s2;
	s2 =	rddreg [dreg:$0x3]  }
0x5: {  	s8 =	simm.s32 $0x880;
	[smem:$0x7FF] =	sst s3  }
0x6: {  	s9 =	simm.s32 $0x5400;
	_ =	strace $0x80000047;
	[dreg:$0x8] =	wrdreg s8  }
0x7: {  	s10 =	simm.s32 $0x100;
	[dreg:$0x9] =	wrdreg s9  }
0x8: {  	s11 =	simm.s32 $0x1800;
	[dreg:$0xa] =	wrdreg s10  }
0x9: {  	s12 =	simm.s32 $0x900;
	[dreg:$0xb] =	wrdreg s11  }
0xa: {  	s13 =	simm.s32 $0x5800;
	[dreg:$0xc] =	wrdreg s12  }
0xb: {  	s14 =	simm.s32 $0x180;
	[dreg:$0xd] =	wrdreg s13  }
0xc: {  	s15 =	simm.s32 $0x1C00;
	[dreg:$0xe] =	wrdreg s14  }
0xd: {  	s16 =	simm.s32 $0x980;
	[dreg:$0xf] =	wrdreg s15  }
0xe: {  	s17 =	simm.s32 $0x5C00;
	[dreg:$0x10] =	wrdreg s16  }
0xf: {  	s18 =	simm.s32 $0x200;
	[dreg:$0x11] =	wrdreg s17  }
0x10: {  	s19 =	simm.s32 $0x2000;
	[dreg:$0x12] =	wrdreg s18  }
0x11: {  	s20 =	simm.s32 $0xA00;
	[dreg:$0x13] =	wrdreg s19  }
0x12: {  	s21 =	simm.s32 $0x6000;
	[dreg:$0x14] =	wrdreg s20  }
0x13: {  	s22 =	simm.s32 $0x280;
	[dreg:$0x15] =	wrdreg s21  }
0x14: {  	s23 =	simm.s32 $0x2400;
	[dreg:$0x16] =	wrdreg s22  }
0x15: {  	s24 =	simm.s32 $0xA80;
	[dreg:$0x17] =	wrdreg s23  }
0x16: {  	s25 =	simm.s32 $0x6400;
	[dreg:$0x18] =	wrdreg s24  }
0x17: {  	s26 =	simm.s32 $0x300;
	[dreg:$0x19] =	wrdreg s25  }
0x18: {  	s29 =	simm.s32 $0x2800;
	[dreg:$0x1a] =	wrdreg s26  }
0x19: {  	s31 =	simm.s32 $0xB00;
	[dreg:$0x1b] =	wrdreg s29  }
0x1a: {  	s3 =	simm.s32 $0x6800;
	[dreg:$0x1c] =	wrdreg s31  }
0x1b: {  	[dreg:$0x1d] =	wrdreg s3;
	s8 =	simm.s32 $0xB80  }
0x1c: {  	s9 =	simm.s32 $0x6C00;
	[smem:$0x7E8] =	sst s8  }
0x1d: {  	s10 =	simm.s32 $0x400;
	[smem:$0x7E9] =	sst s9  }
0x1e: {  	s11 =	simm.s32 $0x3000;
	[smem:$0x7EA] =	sst s10  }
0x1f: {  	s12 =	simm.s32 $0xC00;
	[smem:$0x7EB] =	sst s11  }
0x20: {  	s13 =	simm.s32 $0x7000;
	[smem:$0x7EC] =	sst s12  }
0x21: {  	s14 =	simm.s32 $0x480;
	[smem:$0x7ED] =	sst s13  }
0x22: {  	s15 =	simm.s32 $0x3400;
	[smem:$0x7EE] =	sst s14  }
0x23: {  	s16 =	simm.s32 $0xC80;
	[smem:$0x7EF] =	sst s15  }
0x24: {  	s18 =	simm.s32 $0x7400;
	[smem:$0x7F0] =	sst s16  }
0x25: {  	s19 =	simm.s32 $0x500;
	[smem:$0x7F1] =	sst s18  }
0x26: {  	s20 =	simm.s32 $0x3800;
	[smem:$0x7F3] =	sst s19  }
0x27: {  	s0 =	srdreg.scid;
	s22 =	simm.s32 $0xD00;
	[smem:$0x7F5] =	sst s20  }
0x28: {  	s30 =	simm.s32 $0x5000;
	s23 =	simm.s32 $0x7800;
	[smem:$0x7F7] =	sst s22  }
0x29: {  	s28 =	simm.s32 $0x1;
	s24 =	simm.s32 $0x580;
	[smem:$0x7F8] =	sst s23  }
0x2a: {  	s0 =	sand.u32 $0x1, s0;
	s25 =	simm.s32 $0x3C00;
	[smem:$0x7F9] =	sst s24  }
0x2b: {  	s7 =	smul.u32 $0x19000, s0;
	s26 =	simm.s32 $0xD80;
	[smem:$0x7FA] =	sst s25  }
0x2c: {  	s0 =	ssub.s32 $0x2, s0;
	s29 =	simm.s32 $0x7C00;
	[smem:$0x7FB] =	sst s26  }
0x2d: {  	s31 =	simm.s32 $0x600;
	s3 =	simm.s32 $0x0;
	[smem:$0x7FC] =	sst s29  }
0x2e: {  	s17 =	sshrl.u32 s0, $0x1;
	s9 =	simm.s32 $0x80;
	[smem:$0x7FD] =	sst s31  }
0x2f: {  	s8 =	simm.s32 $0xE00;
	s10 =	simm.s32 $0x8000;
	s11 =	simm.s32 $0x680  }
0x30: {  	s12 =	simm.s32 $0x4400;
	s13 =	simm.s32 $0xE80;
	s14 =	simm.s32 $0x8400  }
0x31: {  	s15 =	simm.s32 $0x700;
	s4 =	sadd.s32 s7, s4;
	s0 =	ssub.s32 s0, s17  }
0x32: {  	s16 =	simm.s32 $0x4800;
	s7 =	sshrl.u32 s4, $0x3;
	s0 =	smax.u32 s0, $0x1  }
0x33: {  	s18 =	simm.s32 $0x8800;
	s6 =	sadd.s32 s7, s6;
	[smem:$0x7F2] =	sst s0  }
0x34: {  	s19 =	simm.s32 $0x780;
	s5 =	sadd.s32 s7, s5;
	[dreg:$0x5] =	wrdreg s6  }
0x35: {  	s2 =	sadd.s32 s4, s2;
	s7 =	simm.s32 $0x1400;
	[dreg:$0x6] =	wrdreg s5  }
0x36: {  	s20 =	simm.s32 $0x4C00;
	s21 =	sadd.s32 $0x1000, s2;
	[dreg:$0x7] =	wrdreg s7  }
0x37: {  	s22 =	simm.s32 $0x8C00;
	s2 =	sadd.s32 $0x321000, s2;
	[smem:$0x7F4] =	sst s21  }
0x38: {  	s17 =	simm.s32 $0xF00;
	s6 =	simm.s32 $0x380;
	[smem:$0x7F6] =	sst s2  }
0x39: {  	s7 =	simm.s32 $0x2C00;
	s21 =	simm.s32 $0xF80;
	[dreg:$0x1e] =	wrdreg s6  }
0x3a: {  	[dreg:$0x1f] =	wrdreg s7;
	s6 =	simm.s32 $0x800;
	s7 =	simm.s32 $0x4000  }
.LBB2_1:
0x3b: {  	[smem:$0x7E7] =	sst s3  }
0x3c: {  	s0 =	rddreg [dreg:$0x6]  }
0x3d: {  	s24 =	simm.s32 $0x0;
	s5 =	simm.s32 $0x2;
	s0 =	sadd.s32 $0x0, s0  }
0x3e: {  	[tilespmem:s24], [sflag:$0x2] =	stream.linear.gather [hbm4b:s0+s24], $0x800, $0x38;
	[tilespmem:$0x9000] =	vst v63  }
0x3f: {  	_ =	swait.ge [sflag:s5], $0x800  }
0x40: {  	s25 =	rddreg [dreg:$0x5];
	[sflag:s5] =	ssyncset.done $0x0  }
0x41: {  	[sflag:s5] =	ssyncadd.s32 $0xFFFFF800;
	s0 =	sadd.s32 $0x0, s25  }
0x42: {  	[tilespmem:s6], [sflag:$0x2] =	stream.linear.gather [hbm4b:s0+s24], $0x800, $0x38;
	[tilespmem:$0x9000] =	vst v63  }
0x43: {  	_ =	swait.ge [sflag:s5], $0x800  }
0x44: {  	s0 =	sld [smem:$0x7FC]  }
0x45: {  	s2 =	rddreg [dreg:$0x7]  }
0x46: {  	s4 =	rddreg [dreg:$0x9]  }
0x47: {  	s3 =	rddreg [dreg:$0xb]  }
0x48: {  	s23 =	rddreg [dreg:$0x8]  }
0x49: {  	[sflag:s5] =	ssyncset.done $0x0;
	s25 =	rddreg [dreg:$0xd]  }
0x4a: {  	s26 =	simm.s32 $0x1000;
	[sflag:s5] =	ssyncadd.s32 $0xFFFFF800;
	s5 =	sld [smem:$0x7FA]  }
0x4b: {  	[tilespmem:s26], [sflag:$0x1] =	stream.indirect.gather [hbm4b:s1+s9], $0x4, s24, s9, $0xb8;
	[tilespmem:$0x9000] =	vst v63  }
0x4c: {  	s24 =	rddreg [dreg:$0xa]  }
0x4d: {  	[tilespmem:s30], [sflag:$0x1] =	stream.indirect.gather [hbm4b:s1+s9], $0x4, s6, s9, $0xb8;
	[tilespmem:$0x9000] =	vst v63  }
0x4e: {  	s26 =	rddreg [dreg:$0xc]  }
0x4f: {  	[tilespmem:s2], [sflag:$0x1] =	stream.indirect.gather [hbm4b:s1+s9], $0x4, s9, s9, $0xb8;
	[tilespmem:$0x9000] =	vst v63  }
0x50: {  	s30 =	rddreg [dreg:$0xf]  }
0x51: {  	[tilespmem:s4], [sflag:$0x1] =	stream.indirect.gather [hbm4b:s1+s9], $0x4, s23, s9, $0xb8;
	[tilespmem:$0x9000] =	vst v63  }
0x52: {  	s23 =	rddreg [dreg:$0x11]  }
0x53: {  	[tilespmem:s3], [sflag:$0x1] =	stream.indirect.gather [hbm4b:s1+s9], $0x4, s24, s9, $0xb8;
	[tilespmem:$0x9000] =	vst v63  }
0x54: {  	s3 =	rddreg [dreg:$0xe]  }
0x55: {  	s24 =	rddreg [dreg:$0x10]  }
0x56: {  	[tilespmem:s25], [sflag:$0x1] =	stream.indirect.gather [hbm4b:s1+s9], $0x4, s26, s9, $0xb8;
	[tilespmem:$0x9000] =	vst v63  }
0x57: {  	s25 =	rddreg [dreg:$0x13]  }
0x58: {  	s26 =	rddreg [dreg:$0x12]  }
0x59: {  	[tilespmem:s30], [sflag:$0x1] =	stream.indirect.gather [hbm4b:s1+s9], $0x4, s3, s9, $0xb8;
	[tilespmem:$0x9000] =	vst v63  }
0x5a: {  	s30 =	rddreg [dreg:$0x15]  }
0x5b: {  	s3 =	rddreg [dreg:$0x14]  }
0x5c: {  	[tilespmem:s23], [sflag:$0x1] =	stream.indirect.gather [hbm4b:s1+s9], $0x4, s24, s9, $0xb8;
	[tilespmem:$0x9000] =	vst v63  }
0x5d: {  	s23 =	rddreg [dreg:$0x17]  }
0x5e: {  	s24 =	rddreg [dreg:$0x16]  }
0x5f: {  	[tilespmem:s25], [sflag:$0x1] =	stream.indirect.gather [hbm4b:s1+s9], $0x4, s26, s9, $0xb8;
	[tilespmem:$0x9000] =	vst v63  }
0x60: {  	s25 =	rddreg [dreg:$0x19]  }
0x61: {  	s26 =	rddreg [dreg:$0x18]  }
0x62: {  	[tilespmem:s30], [sflag:$0x1] =	stream.indirect.gather [hbm4b:s1+s9], $0x4, s3, s9, $0xb8;
	[tilespmem:$0x9000] =	vst v63  }
0x63: {  	s30 =	rddreg [dreg:$0x1b]  }
0x64: {  	s3 =	rddreg [dreg:$0x1a]  }
0x65: {  	[tilespmem:s23], [sflag:$0x1] =	stream.indirect.gather [hbm4b:s1+s9], $0x4, s24, s9, $0xb8;
	[tilespmem:$0x9000] =	vst v63  }
0x66: {  	s23 =	rddreg [dreg:$0x1d]  }
0x67: {  	s24 =	rddreg [dreg:$0x1c]  }
0x68: {  	[tilespmem:s25], [sflag:$0x1] =	stream.indirect.gather [hbm4b:s1+s9], $0x4, s26, s9, $0xb8;
	[tilespmem:$0x9000] =	vst v63  }
0x69: {  	s25 =	rddreg [dreg:$0x1f]  }
0x6a: {  	s26 =	rddreg [dreg:$0x1e]  }
0x6b: {  	[tilespmem:s30], [sflag:$0x1] =	stream.indirect.gather [hbm4b:s1+s9], $0x4, s3, s9, $0xb8;
	[tilespmem:$0x9000] =	vst v63  }
0x6c: {  	s30 =	sld [smem:$0x7E9]  }
0x6d: {  	s3 =	sld [smem:$0x7E8]  }
0x6e: {  	[tilespmem:s23], [sflag:$0x1] =	stream.indirect.gather [hbm4b:s1+s9], $0x4, s24, s9, $0xb8;
	[tilespmem:$0x9000] =	vst v63  }
0x6f: {  	s23 =	sld [smem:$0x7EB]  }
0x70: {  	s24 =	sld [smem:$0x7EA]  }
0x71: {  	[tilespmem:s25], [sflag:$0x1] =	stream.indirect.gather [hbm4b:s1+s9], $0x4, s26, s9, $0xb8;
	[tilespmem:$0x9000] =	vst v63  }
0x72: {  	s25 =	sld [smem:$0x7ED]  }
0x73: {  	s26 =	sld [smem:$0x7EC]  }
0x74: {  	[tilespmem:s30], [sflag:$0x1] =	stream.indirect.gather [hbm4b:s1+s9], $0x4, s3, s9, $0xb8;
	[tilespmem:$0x9000] =	vst v63  }
0x75: {  	s30 =	sld [smem:$0x7EF]  }
0x76: {  	s3 =	sld [smem:$0x7EE]  }
0x77: {  	[tilespmem:s23], [sflag:$0x1] =	stream.indirect.gather [hbm4b:s1+s9], $0x4, s24, s9, $0xb8;
	[tilespmem:$0x9000] =	vst v63  }
0x78: {  	s23 =	sld [smem:$0x7F1]  }
0x79: {  	s24 =	sld [smem:$0x7F0]  }
0x7a: {  	[tilespmem:s25], [sflag:$0x1] =	stream.indirect.gather [hbm4b:s1+s9], $0x4, s26, s9, $0xb8;
	[tilespmem:$0x9000] =	vst v63  }
0x7b: {  	s25 =	sld [smem:$0x7F5]  }
0x7c: {  	s26 =	sld [smem:$0x7F3]  }
0x7d: {  	[tilespmem:s30], [sflag:$0x1] =	stream.indirect.gather [hbm4b:s1+s9], $0x4, s3, s9, $0xb8;
	[tilespmem:$0x9000] =	vst v63  }
0x7e: {  	s30 =	sld [smem:$0x7F8]  }
0x7f: {  	[tilespmem:s23], [sflag:$0x1] =	stream.indirect.gather [hbm4b:s1+s9], $0x4, s24, s9, $0xb8;
	[tilespmem:$0x9000] =	vst v63  }
0x80: {  	s3 =	sld [smem:$0x7F7]  }
0x81: {  	[tilespmem:s25], [sflag:$0x1] =	stream.indirect.gather [hbm4b:s1+s9], $0x4, s26, s9, $0xb8;
	[tilespmem:$0x9000] =	vst v63  }
0x82: {  	s23 =	sld [smem:$0x7F9]  }
0x83: {  	[tilespmem:s30], [sflag:$0x1] =	stream.indirect.gather [hbm4b:s1+s9], $0x4, s3, s9, $0xb8;
	[tilespmem:$0x9000] =	vst v63  }
0x84: {  	s24 =	sld [smem:$0x7FB]  }
0x85: {  	[tilespmem:s5], [sflag:$0x1] =	stream.indirect.gather [hbm4b:s1+s9], $0x4, s23, s9, $0xb8;
	[tilespmem:$0x9000] =	vst v63  }
0x86: {  	s25 =	sld [smem:$0x7FD]  }
0x87: {  	[tilespmem:s0], [sflag:$0x1] =	stream.indirect.gather [hbm4b:s1+s9], $0x4, s24, s9, $0xb8;
	[tilespmem:$0x9000] =	vst v63  }
0x88: {  	_ = 	snop  }
0x89: {  	[tilespmem:s7], [sflag:$0x1] =	stream.indirect.gather [hbm4b:s1+s9], $0x4, s25, s9, $0xb8;
	[tilespmem:$0x9000] =	vst v63  }
0x8a: {  	_ = 	snop  }
0x8b: {  	[tilespmem:s10], [sflag:$0x1] =	stream.indirect.gather [hbm4b:s1+s9], $0x4, s8, s9, $0xb8;
	[tilespmem:$0x9000] =	vst v63  }
0x8c: {  	_ = 	snop  }
0x8d: {  	[tilespmem:s12], [sflag:$0x1] =	stream.indirect.gather [hbm4b:s1+s9], $0x4, s11, s9, $0xb8;
	[tilespmem:$0x9000] =	vst v63  }
0x8e: {  	_ = 	snop  }
0x8f: {  	[tilespmem:s14], [sflag:$0x1] =	stream.indirect.gather [hbm4b:s1+s9], $0x4, s13, s9, $0xb8;
	[tilespmem:$0x9000] =	vst v63  }
0x90: {  	_ = 	snop  }
0x91: {  	[tilespmem:s16], [sflag:$0x1] =	stream.indirect.gather [hbm4b:s1+s9], $0x4, s15, s9, $0xb8;
	[tilespmem:$0x9000] =	vst v63  }
0x92: {  	_ = 	snop  }
0x93: {  	[tilespmem:s18], [sflag:$0x1] =	stream.indirect.gather [hbm4b:s1+s9], $0x4, s17, s9, $0xb8;
	[tilespmem:$0x9000] =	vst v63  }
0x94: {  	_ = 	snop  }
0x95: {  	[tilespmem:s20], [sflag:$0x1] =	stream.indirect.gather [hbm4b:s1+s9], $0x4, s19, s9, $0xb8;
	[tilespmem:$0x9000] =	vst v63  }
0x96: {  	_ = 	snop  }
0x97: {  	[tilespmem:s22], [sflag:$0x1] =	stream.indirect.gather [hbm4b:s1+s9], $0x4, s21, s9, $0xb8;
	[tilespmem:$0x9000] =	vst v63  }
0x98: {  	_ =	swait.ge [sflag:s28], $0x200  }
0x99: {  	[sflag:s28] =	ssyncset.done $0x0  }
0x9a: {  	[sflag:s28] =	ssyncadd.s32 $0xFFFFFE00  }
0x9b: {  	_ =	swait.ge [sflag:s28], $0x200  }
0x9c: {  	[sflag:s28] =	ssyncset.done $0x0  }
0x9d: {  	[sflag:s28] =	ssyncadd.s32 $0xFFFFFE00  }
0x9e: {  	_ =	swait.ge [sflag:s28], $0x200  }
0x9f: {  	[sflag:s28] =	ssyncset.done $0x0  }
0xa0: {  	[sflag:s28] =	ssyncadd.s32 $0xFFFFFE00  }
0xa1: {  	_ =	swait.ge [sflag:s28], $0x200  }
0xa2: {  	[sflag:s28] =	ssyncset.done $0x0  }
0xa3: {  	[sflag:s28] =	ssyncadd.s32 $0xFFFFFE00  }
0xa4: {  	_ =	swait.ge [sflag:s28], $0x200  }
0xa5: {  	[sflag:s28] =	ssyncset.done $0x0  }
0xa6: {  	[sflag:s28] =	ssyncadd.s32 $0xFFFFFE00  }
0xa7: {  	_ =	swait.ge [sflag:s28], $0x200  }
0xa8: {  	[sflag:s28] =	ssyncset.done $0x0  }
0xa9: {  	[sflag:s28] =	ssyncadd.s32 $0xFFFFFE00  }
0xaa: {  	_ =	swait.ge [sflag:s28], $0x200  }
0xab: {  	[sflag:s28] =	ssyncset.done $0x0  }
0xac: {  	[sflag:s28] =	ssyncadd.s32 $0xFFFFFE00  }
0xad: {  	_ =	swait.ge [sflag:s28], $0x200  }
0xae: {  	[sflag:s28] =	ssyncset.done $0x0  }
0xaf: {  	[sflag:s28] =	ssyncadd.s32 $0xFFFFFE00  }
0xb0: {  	_ =	swait.ge [sflag:s28], $0x200  }
0xb1: {  	[sflag:s28] =	ssyncset.done $0x0  }
0xb2: {  	[sflag:s28] =	ssyncadd.s32 $0xFFFFFE00  }
0xb3: {  	_ =	swait.ge [sflag:s28], $0x200  }
0xb4: {  	[sflag:s28] =	ssyncset.done $0x0  }
0xb5: {  	[sflag:s28] =	ssyncadd.s32 $0xFFFFFE00  }
0xb6: {  	_ =	swait.ge [sflag:s28], $0x200  }
0xb7: {  	[sflag:s28] =	ssyncset.done $0x0  }
0xb8: {  	[sflag:s28] =	ssyncadd.s32 $0xFFFFFE00  }
0xb9: {  	_ =	swait.ge [sflag:s28], $0x200  }
0xba: {  	[sflag:s28] =	ssyncset.done $0x0  }
0xbb: {  	[sflag:s28] =	ssyncadd.s32 $0xFFFFFE00  }
0xbc: {  	_ =	swait.ge [sflag:s28], $0x200  }
0xbd: {  	[sflag:s28] =	ssyncset.done $0x0  }
0xbe: {  	[sflag:s28] =	ssyncadd.s32 $0xFFFFFE00  }
0xbf: {  	_ =	swait.ge [sflag:s28], $0x200  }
0xc0: {  	[sflag:s28] =	ssyncset.done $0x0  }
0xc1: {  	[sflag:s28] =	ssyncadd.s32 $0xFFFFFE00  }
0xc2: {  	_ =	swait.ge [sflag:s28], $0x200  }
0xc3: {  	[sflag:s28] =	ssyncset.done $0x0  }
0xc4: {  	[sflag:s28] =	ssyncadd.s32 $0xFFFFFE00  }
0xc5: {  	_ =	swait.ge [sflag:s28], $0x200  }
0xc6: {  	[sflag:s28] =	ssyncset.done $0x0  }
0xc7: {  	[sflag:s28] =	ssyncadd.s32 $0xFFFFFE00  }
0xc8: {  	_ =	swait.ge [sflag:s28], $0x200  }
0xc9: {  	[sflag:s28] =	ssyncset.done $0x0  }
0xca: {  	[sflag:s28] =	ssyncadd.s32 $0xFFFFFE00  }
0xcb: {  	_ =	swait.ge [sflag:s28], $0x200  }
0xcc: {  	[sflag:s28] =	ssyncset.done $0x0  }
0xcd: {  	[sflag:s28] =	ssyncadd.s32 $0xFFFFFE00  }
0xce: {  	_ =	swait.ge [sflag:s28], $0x200  }
0xcf: {  	[sflag:s28] =	ssyncset.done $0x0  }
0xd0: {  	[sflag:s28] =	ssyncadd.s32 $0xFFFFFE00  }
0xd1: {  	_ =	swait.ge [sflag:s28], $0x200  }
0xd2: {  	[sflag:s28] =	ssyncset.done $0x0  }
0xd3: {  	[sflag:s28] =	ssyncadd.s32 $0xFFFFFE00  }
0xd4: {  	_ =	swait.ge [sflag:s28], $0x200  }
0xd5: {  	[sflag:s28] =	ssyncset.done $0x0  }
0xd6: {  	[sflag:s28] =	ssyncadd.s32 $0xFFFFFE00  }
0xd7: {  	_ =	swait.ge [sflag:s28], $0x200  }
0xd8: {  	[sflag:s28] =	ssyncset.done $0x0  }
0xd9: {  	[sflag:s28] =	ssyncadd.s32 $0xFFFFFE00  }
0xda: {  	_ =	swait.ge [sflag:s28], $0x200  }
0xdb: {  	[sflag:s28] =	ssyncset.done $0x0  }
0xdc: {  	[sflag:s28] =	ssyncadd.s32 $0xFFFFFE00  }
0xdd: {  	_ =	swait.ge [sflag:s28], $0x200  }
0xde: {  	[sflag:s28] =	ssyncset.done $0x0  }
0xdf: {  	[sflag:s28] =	ssyncadd.s32 $0xFFFFFE00  }
0xe0: {  	_ =	swait.ge [sflag:s28], $0x200  }
0xe1: {  	[sflag:s28] =	ssyncset.done $0x0  }
0xe2: {  	[sflag:s28] =	ssyncadd.s32 $0xFFFFFE00  }
0xe3: {  	_ =	swait.ge [sflag:s28], $0x200  }
0xe4: {  	[sflag:s28] =	ssyncset.done $0x0  }
0xe5: {  	[sflag:s28] =	ssyncadd.s32 $0xFFFFFE00  }
0xe6: {  	_ =	swait.ge [sflag:s28], $0x200  }
0xe7: {  	[sflag:s28] =	ssyncset.done $0x0  }
0xe8: {  	[sflag:s28] =	ssyncadd.s32 $0xFFFFFE00  }
0xe9: {  	_ =	swait.ge [sflag:s28], $0x200  }
0xea: {  	s26 =	sld [smem:$0x7F4]  }
0xeb: {  	s31 =	sld [smem:$0x7F6];
	_ =	sdelay $0x1  }
0xec: {  	s2 =	simm.s32 $0x100;
	[sflag:s28] =	ssyncset.done $0x0  }
0xed: {  	s29 =	smov.u32 s26;
	s6 =	smov.u32 s31;
	s4 =	smov.u32 s26  }
.LBB2_2:
0xee: {  	[sflag:s28] =	ssyncadd.s32 $0xFFFFFE00  }
0xef: {  	_ =	swait.ge [sflag:s28], $0x200  }
0xf0: {  	[sflag:s28] =	ssyncset.done $0x0  }
0xf1: {  	[sflag:s28] =	ssyncadd.s32 $0xFFFFFE00  }
0xf2: {  	_ =	swait.ge [sflag:s28], $0x200  }
0xf3: {  	[sflag:s28] =	ssyncset.done $0x0  }
0xf4: {  	[sflag:s28] =	ssyncadd.s32 $0xFFFFFE00  }
0xf5: {  	_ =	swait.ge [sflag:s28], $0x200  }
0xf6: {  	[sflag:s28] =	ssyncset.done $0x0  }
0xf7: {  	[sflag:s28] =	ssyncadd.s32 $0xFFFFFE00  }
0xf8: {  	_ =	swait.ge [sflag:s28], $0x200  }
0xf9: {  	s3 =	simm.s32 $0x0;
	[sflag:s28] =	ssyncset.done $0x0  }
0xfa: {  	s30 =	simm.s32 $0x1000;
	s7 =	simm.s32 $0x2;
	[sflag:s28] =	ssyncadd.s32 $0xFFFFFE00  }
0xfb: {  	[hbm4b:s31+s3] =	stream.linear.scatter [tilespmem:s30], [sflag:$0x2], $0x4000, $0x38;
	[tilespmem:$0x9000] =	vst v63  }
0xfc: {  	_ =	swait.ge [sflag:s7], $0x4000  }
0xfd: {  	[sflag:s7] =	ssyncset.done $0x0  }
0xfe: {  	s12 =	simm.s32 $0x5000;
	[sflag:s7] =	ssyncadd.s32 $0xFFFFC000  }
0xff: {  	[hbm4b:s4+s3] =	stream.linear.scatter [tilespmem:s12], [sflag:$0x2], $0x4000, $0x38;
	[tilespmem:$0x9000] =	vst v63  }
0x100: {  	s29 =	sadd.s32 $0x800, s29;
	s0 =	smov.u32 s2;
	_ =	swait.ge [sflag:s7], $0x4000  }
0x101: {  	s26 =	smov.u32 s29;
	s5 =	rddreg [dreg:$0x6];
	[sflag:s7] =	ssyncset.done $0x0  }
0x102: {  	[smem:$0x7E6] =	sst s26;
	[sflag:s7] =	ssyncadd.s32 $0xFFFFC000;
	s4 =	sadd.s32 s0, s5  }
0x103: {  	[tilespmem:s3], [sflag:$0x2] =	stream.linear.gather [hbm4b:s4+s3], $0x800, $0x38;
	[tilespmem:$0x9000] =	vst v63  }
0x104: {  	_ =	swait.ge [sflag:s7], $0x800  }
0x105: {  	s8 =	rddreg [dreg:$0x5];
	[sflag:s7] =	ssyncset.done $0x0  }
0x106: {  	s5 =	simm.s32 $0x800;
	[sflag:s7] =	ssyncadd.s32 $0xFFFFF800;
	s0 =	sadd.s32 s0, s8  }
0x107: {  	[tilespmem:s5], [sflag:$0x2] =	stream.linear.gather [hbm4b:s0+s3], $0x800, $0x38;
	[tilespmem:$0x9000] =	vst v63  }
0x108: {  	_ =	swait.ge [sflag:s7], $0x800  }
0x109: {  	s10 =	sld [smem:$0x7FC]  }
0x10a: {  	s11 =	sld [smem:$0x7FA]  }
0x10b: {  	s4 =	sld [smem:$0x7F8]  }
0x10c: {  	s0 =	sld [smem:$0x7F5]  }
0x10d: {  	s13 =	sld [smem:$0x7F1]  }
0x10e: {  	s14 =	sld [smem:$0x7EF]  }
0x10f: {  	s15 =	sld [smem:$0x7ED]  }
0x110: {  	s16 =	sld [smem:$0x7EB]  }
0x111: {  	s17 =	sld [smem:$0x7E9]  }
0x112: {  	s18 =	rddreg [dreg:$0x1f]  }
0x113: {  	s19 =	rddreg [dreg:$0x1d]  }
0x114: {  	s20 =	rddreg [dreg:$0x1b]  }
0x115: {  	s21 =	rddreg [dreg:$0x19]  }
0x116: {  	s22 =	rddreg [dreg:$0x17]  }
0x117: {  	s23 =	rddreg [dreg:$0x15]  }
0x118: {  	s24 =	rddreg [dreg:$0x13]  }
0x119: {  	s25 =	rddreg [dreg:$0x11]  }
0x11a: {  	s26 =	rddreg [dreg:$0xf]  }
0x11b: {  	s8 =	rddreg [dreg:$0x7];
	[sflag:s7] =	ssyncset.done $0x0  }
0x11c: {  	[sflag:s7] =	ssyncadd.s32 $0xFFFFF800;
	s7 =	rddreg [dreg:$0x10]  }
0x11d: {  	[tilespmem:s30], [sflag:$0x1] =	stream.indirect.gather [hbm4b:s1+s9], $0x4, s3, s9, $0xb8;
	[tilespmem:$0x9000] =	vst v63  }
0x11e: {  	s3 =	rddreg [dreg:$0xd]  }
0x11f: {  	[smem:$0x7E5] =	sst s10  }
0x120: {  	[smem:$0x7E4] =	sst s11  }
0x121: {  	s10 =	rddreg [dreg:$0x9]  }
0x122: {  	s11 =	rddreg [dreg:$0xb]  }
0x123: {  	[tilespmem:s12], [sflag:$0x1] =	stream.indirect.gather [hbm4b:s1+s9], $0x4, s5, s9, $0xb8;
	[tilespmem:$0x9000] =	vst v63  }
0x124: {  	s12 =	rddreg [dreg:$0x8]  }
0x125: {  	[tilespmem:s8], [sflag:$0x1] =	stream.indirect.gather [hbm4b:s1+s9], $0x4, s9, s9, $0xb8;
	[tilespmem:$0x9000] =	vst v63  }
0x126: {  	s5 =	rddreg [dreg:$0xa]  }
0x127: {  	[tilespmem:s10], [sflag:$0x1] =	stream.indirect.gather [hbm4b:s1+s9], $0x4, s12, s9, $0xb8;
	[tilespmem:$0x9000] =	vst v63  }
0x128: {  	s12 =	rddreg [dreg:$0xc]  }
0x129: {  	[tilespmem:s11], [sflag:$0x1] =	stream.indirect.gather [hbm4b:s1+s9], $0x4, s5, s9, $0xb8;
	[tilespmem:$0x9000] =	vst v63  }
0x12a: {  	s5 =	rddreg [dreg:$0xe]  }
0x12b: {  	[tilespmem:s3], [sflag:$0x1] =	stream.indirect.gather [hbm4b:s1+s9], $0x4, s12, s9, $0xb8;
	[tilespmem:$0x9000] =	vst v63  }
0x12c: {  	s12 =	rddreg [dreg:$0x12]  }
0x12d: {  	[tilespmem:s26], [sflag:$0x1] =	stream.indirect.gather [hbm4b:s1+s9], $0x4, s5, s9, $0xb8;
	[tilespmem:$0x9000] =	vst v63  }
0x12e: {  	s26 =	rddreg [dreg:$0x14]  }
0x12f: {  	s5 =	rddreg [dreg:$0x16]  }
0x130: {  	[tilespmem:s25], [sflag:$0x1] =	stream.indirect.gather [hbm4b:s1+s9], $0x4, s7, s9, $0xb8;
	[tilespmem:$0x9000] =	vst v63  }
0x131: {  	s25 =	rddreg [dreg:$0x1e]  }
0x132: {  	[tilespmem:s24], [sflag:$0x1] =	stream.indirect.gather [hbm4b:s1+s9], $0x4, s12, s9, $0xb8;
	[tilespmem:$0x9000] =	vst v63  }
0x133: {  	s12 =	rddreg [dreg:$0x18]  }
0x134: {  	[tilespmem:s23], [sflag:$0x1] =	stream.indirect.gather [hbm4b:s1+s9], $0x4, s26, s9, $0xb8;
	[tilespmem:$0x9000] =	vst v63  }
0x135: {  	s24 =	rddreg [dreg:$0x1c]  }
0x136: {  	[tilespmem:s22], [sflag:$0x1] =	stream.indirect.gather [hbm4b:s1+s9], $0x4, s5, s9, $0xb8;
	[tilespmem:$0x9000] =	vst v63  }
0x137: {  	s23 =	rddreg [dreg:$0x1a]  }
0x138: {  	[tilespmem:s21], [sflag:$0x1] =	stream.indirect.gather [hbm4b:s1+s9], $0x4, s12, s9, $0xb8;
	[tilespmem:$0x9000] =	vst v63  }
0x139: {  	s26 =	sld [smem:$0x7E8]  }
0x13a: {  	[tilespmem:s20], [sflag:$0x1] =	stream.indirect.gather [hbm4b:s1+s9], $0x4, s23, s9, $0xb8;
	[tilespmem:$0x9000] =	vst v63  }
0x13b: {  	s5 =	sld [smem:$0x7EA]  }
0x13c: {  	[tilespmem:s19], [sflag:$0x1] =	stream.indirect.gather [hbm4b:s1+s9], $0x4, s24, s9, $0xb8;
	[tilespmem:$0x9000] =	vst v63  }
0x13d: {  	s12 =	sld [smem:$0x7EC]  }
0x13e: {  	[tilespmem:s18], [sflag:$0x1] =	stream.indirect.gather [hbm4b:s1+s9], $0x4, s25, s9, $0xb8;
	[tilespmem:$0x9000] =	vst v63  }
0x13f: {  	s23 =	sld [smem:$0x7EE]  }
0x140: {  	[tilespmem:s17], [sflag:$0x1] =	stream.indirect.gather [hbm4b:s1+s9], $0x4, s26, s9, $0xb8;
	[tilespmem:$0x9000] =	vst v63  }
0x141: {  	s24 =	sld [smem:$0x7F0]  }
0x142: {  	[tilespmem:s16], [sflag:$0x1] =	stream.indirect.gather [hbm4b:s1+s9], $0x4, s5, s9, $0xb8;
	[tilespmem:$0x9000] =	vst v63  }
0x143: {  	s25 =	sld [smem:$0x7F3]  }
0x144: {  	[tilespmem:s15], [sflag:$0x1] =	stream.indirect.gather [hbm4b:s1+s9], $0x4, s12, s9, $0xb8;
	[tilespmem:$0x9000] =	vst v63  }
0x145: {  	s26 =	sld [smem:$0x7F7]  }
0x146: {  	[tilespmem:s14], [sflag:$0x1] =	stream.indirect.gather [hbm4b:s1+s9], $0x4, s23, s9, $0xb8;
	[tilespmem:$0x9000] =	vst v63  }
0x147: {  	s5 =	sld [smem:$0x7F9]  }
0x148: {  	[tilespmem:s13], [sflag:$0x1] =	stream.indirect.gather [hbm4b:s1+s9], $0x4, s24, s9, $0xb8;
	[tilespmem:$0x9000] =	vst v63  }
0x149: {  	s23 =	sld [smem:$0x7FB]  }
0x14a: {  	[tilespmem:s0], [sflag:$0x1] =	stream.indirect.gather [hbm4b:s1+s9], $0x4, s25, s9, $0xb8;
	[tilespmem:$0x9000] =	vst v63  }
0x14b: {  	s24 =	sld [smem:$0x7E4]  }
0x14c: {  	[tilespmem:s4], [sflag:$0x1] =	stream.indirect.gather [hbm4b:s1+s9], $0x4, s26, s9, $0xb8;
	[tilespmem:$0x9000] =	vst v63  }
0x14d: {  	s26 =	sld [smem:$0x7E5]  }
0x14e: {  	[tilespmem:s24], [sflag:$0x1] =	stream.indirect.gather [hbm4b:s1+s9], $0x4, s5, s9, $0xb8;
	[tilespmem:$0x9000] =	vst v63  }
0x14f: {  	s25 =	sld [smem:$0x7FD]  }
0x150: {  	[tilespmem:s26], [sflag:$0x1] =	stream.indirect.gather [hbm4b:s1+s9], $0x4, s23, s9, $0xb8;
	[tilespmem:$0x9000] =	vst v63  }
0x151: {  	s7 =	simm.s32 $0x4000  }
0x152: {  	[tilespmem:s7], [sflag:$0x1] =	stream.indirect.gather [hbm4b:s1+s9], $0x4, s25, s9, $0xb8;
	[tilespmem:$0x9000] =	vst v63  }
0x153: {  	s8 =	simm.s32 $0xE00;
	s10 =	simm.s32 $0x8000  }
0x154: {  	[tilespmem:s10], [sflag:$0x1] =	stream.indirect.gather [hbm4b:s1+s9], $0x4, s8, s9, $0xb8;
	[tilespmem:$0x9000] =	vst v63  }
0x155: {  	s11 =	simm.s32 $0x680;
	s12 =	simm.s32 $0x4400  }
0x156: {  	[tilespmem:s12], [sflag:$0x1] =	stream.indirect.gather [hbm4b:s1+s9], $0x4, s11, s9, $0xb8;
	[tilespmem:$0x9000] =	vst v63  }
0x157: {  	s14 =	simm.s32 $0x8400;
	s13 =	simm.s32 $0xE80  }
0x158: {  	[tilespmem:s14], [sflag:$0x1] =	stream.indirect.gather [hbm4b:s1+s9], $0x4, s13, s9, $0xb8;
	[tilespmem:$0x9000] =	vst v63  }
0x159: {  	s16 =	simm.s32 $0x4800;
	s15 =	simm.s32 $0x700  }
0x15a: {  	[tilespmem:s16], [sflag:$0x1] =	stream.indirect.gather [hbm4b:s1+s9], $0x4, s15, s9, $0xb8;
	[tilespmem:$0x9000] =	vst v63  }
0x15b: {  	s18 =	simm.s32 $0x8800;
	s17 =	simm.s32 $0xF00  }
0x15c: {  	[tilespmem:s18], [sflag:$0x1] =	stream.indirect.gather [hbm4b:s1+s9], $0x4, s17, s9, $0xb8;
	[tilespmem:$0x9000] =	vst v63  }
0x15d: {  	s20 =	simm.s32 $0x4C00;
	s19 =	simm.s32 $0x780  }
0x15e: {  	[tilespmem:s20], [sflag:$0x1] =	stream.indirect.gather [hbm4b:s1+s9], $0x4, s19, s9, $0xb8;
	[tilespmem:$0x9000] =	vst v63  }
0x15f: {  	s22 =	simm.s32 $0x8C00;
	s21 =	simm.s32 $0xF80  }
0x160: {  	[tilespmem:s22], [sflag:$0x1] =	stream.indirect.gather [hbm4b:s1+s9], $0x4, s21, s9, $0xb8;
	[tilespmem:$0x9000] =	vst v63  }
0x161: {  	s4 =	sld [smem:$0x7E6];
	_ =	swait.ge [sflag:s28], $0x200  }
0x162: {  	[sflag:s28] =	ssyncset.done $0x0  }
0x163: {  	[sflag:s28] =	ssyncadd.s32 $0xFFFFFE00  }
0x164: {  	_ =	swait.ge [sflag:s28], $0x200  }
0x165: {  	[sflag:s28] =	ssyncset.done $0x0  }
0x166: {  	[sflag:s28] =	ssyncadd.s32 $0xFFFFFE00  }
0x167: {  	_ =	swait.ge [sflag:s28], $0x200  }
0x168: {  	[sflag:s28] =	ssyncset.done $0x0  }
0x169: {  	[sflag:s28] =	ssyncadd.s32 $0xFFFFFE00  }
0x16a: {  	_ =	swait.ge [sflag:s28], $0x200  }
0x16b: {  	[sflag:s28] =	ssyncset.done $0x0  }
0x16c: {  	[sflag:s28] =	ssyncadd.s32 $0xFFFFFE00  }
0x16d: {  	_ =	swait.ge [sflag:s28], $0x200  }
0x16e: {  	[sflag:s28] =	ssyncset.done $0x0  }
0x16f: {  	[sflag:s28] =	ssyncadd.s32 $0xFFFFFE00  }
0x170: {  	_ =	swait.ge [sflag:s28], $0x200  }
0x171: {  	[sflag:s28] =	ssyncset.done $0x0  }
0x172: {  	[sflag:s28] =	ssyncadd.s32 $0xFFFFFE00  }
0x173: {  	_ =	swait.ge [sflag:s28], $0x200  }
0x174: {  	[sflag:s28] =	ssyncset.done $0x0  }
0x175: {  	[sflag:s28] =	ssyncadd.s32 $0xFFFFFE00  }
0x176: {  	_ =	swait.ge [sflag:s28], $0x200  }
0x177: {  	[sflag:s28] =	ssyncset.done $0x0  }
0x178: {  	[sflag:s28] =	ssyncadd.s32 $0xFFFFFE00  }
0x179: {  	_ =	swait.ge [sflag:s28], $0x200  }
0x17a: {  	[sflag:s28] =	ssyncset.done $0x0  }
0x17b: {  	[sflag:s28] =	ssyncadd.s32 $0xFFFFFE00  }
0x17c: {  	_ =	swait.ge [sflag:s28], $0x200  }
0x17d: {  	[sflag:s28] =	ssyncset.done $0x0  }
0x17e: {  	[sflag:s28] =	ssyncadd.s32 $0xFFFFFE00  }
0x17f: {  	_ =	swait.ge [sflag:s28], $0x200  }
0x180: {  	[sflag:s28] =	ssyncset.done $0x0  }
0x181: {  	[sflag:s28] =	ssyncadd.s32 $0xFFFFFE00  }
0x182: {  	_ =	swait.ge [sflag:s28], $0x200  }
0x183: {  	[sflag:s28] =	ssyncset.done $0x0  }
0x184: {  	[sflag:s28] =	ssyncadd.s32 $0xFFFFFE00  }
0x185: {  	_ =	swait.ge [sflag:s28], $0x200  }
0x186: {  	[sflag:s28] =	ssyncset.done $0x0  }
0x187: {  	[sflag:s28] =	ssyncadd.s32 $0xFFFFFE00  }
0x188: {  	_ =	swait.ge [sflag:s28], $0x200  }
0x189: {  	[sflag:s28] =	ssyncset.done $0x0  }
0x18a: {  	[sflag:s28] =	ssyncadd.s32 $0xFFFFFE00  }
0x18b: {  	_ =	swait.ge [sflag:s28], $0x200  }
0x18c: {  	[sflag:s28] =	ssyncset.done $0x0  }
0x18d: {  	[sflag:s28] =	ssyncadd.s32 $0xFFFFFE00  }
0x18e: {  	_ =	swait.ge [sflag:s28], $0x200  }
0x18f: {  	[sflag:s28] =	ssyncset.done $0x0  }
0x190: {  	[sflag:s28] =	ssyncadd.s32 $0xFFFFFE00  }
0x191: {  	_ =	swait.ge [sflag:s28], $0x200  }
0x192: {  	[sflag:s28] =	ssyncset.done $0x0  }
0x193: {  	[sflag:s28] =	ssyncadd.s32 $0xFFFFFE00  }
0x194: {  	_ =	swait.ge [sflag:s28], $0x200  }
0x195: {  	[sflag:s28] =	ssyncset.done $0x0  }
0x196: {  	[sflag:s28] =	ssyncadd.s32 $0xFFFFFE00  }
0x197: {  	_ =	swait.ge [sflag:s28], $0x200  }
0x198: {  	[sflag:s28] =	ssyncset.done $0x0  }
0x199: {  	[sflag:s28] =	ssyncadd.s32 $0xFFFFFE00  }
0x19a: {  	_ =	swait.ge [sflag:s28], $0x200  }
0x19b: {  	[sflag:s28] =	ssyncset.done $0x0  }
0x19c: {  	[sflag:s28] =	ssyncadd.s32 $0xFFFFFE00  }
0x19d: {  	_ =	swait.ge [sflag:s28], $0x200  }
0x19e: {  	[sflag:s28] =	ssyncset.done $0x0  }
0x19f: {  	[sflag:s28] =	ssyncadd.s32 $0xFFFFFE00  }
0x1a0: {  	_ =	swait.ge [sflag:s28], $0x200  }
0x1a1: {  	[sflag:s28] =	ssyncset.done $0x0  }
0x1a2: {  	[sflag:s28] =	ssyncadd.s32 $0xFFFFFE00  }
0x1a3: {  	_ =	swait.ge [sflag:s28], $0x200  }
0x1a4: {  	[sflag:s28] =	ssyncset.done $0x0  }
0x1a5: {  	[sflag:s28] =	ssyncadd.s32 $0xFFFFFE00  }
0x1a6: {  	_ =	swait.ge [sflag:s28], $0x200  }
0x1a7: {  	[sflag:s28] =	ssyncset.done $0x0  }
0x1a8: {  	[sflag:s28] =	ssyncadd.s32 $0xFFFFFE00  }
0x1a9: {  	_ =	swait.ge [sflag:s28], $0x200  }
0x1aa: {  	[sflag:s28] =	ssyncset.done $0x0  }
0x1ab: {  	[sflag:s28] =	ssyncadd.s32 $0xFFFFFE00  }
0x1ac: {  	_ =	swait.ge [sflag:s28], $0x200  }
0x1ad: {  	[sflag:s28] =	ssyncset.done $0x0  }
0x1ae: {  	p0 =	sne.s32 s2, $0x3100;
	[sflag:s28] =	ssyncadd.s32 $0xFFFFFE00  }
.Ltmp0:
0x1af: {  	_ =	swait.ge [sflag:s28], $0x200;
	(pc) =	sbr.rel @p0 .LBB2_2-.Ltmp0, $4  }
0x1b0: {  	[sflag:s28] =	ssyncset.done $0x0  }
0x1b1: {  	[sflag:s28] =	ssyncadd.s32 $0xFFFFFE00  }
0x1b2: {  	s6 =	sadd.s32 $0x800, s6;
	s2 =	sadd.s32 $0x100, s2;
	_ =	swait.ge [sflag:s28], $0x200  }
0x1b3: {  	s31 =	smov.u32 s6;
	s30 =	simm.s32 $0x5000;
	[sflag:s28] =	ssyncset.done $0x0  }
0x1b4: {  	[sflag:s28] =	ssyncadd.s32 $0xFFFFFE00  }
0x1b5: {  	_ =	swait.ge [sflag:s28], $0x200  }
0x1b6: {  	[sflag:s28] =	ssyncset.done $0x0  }
0x1b7: {  	[sflag:s28] =	ssyncadd.s32 $0xFFFFFE00  }
0x1b8: {  	_ =	swait.ge [sflag:s28], $0x200  }
0x1b9: {  	[sflag:s28] =	ssyncset.done $0x0  }
0x1ba: {  	[sflag:s28] =	ssyncadd.s32 $0xFFFFFE00  }
0x1bb: {  	_ =	swait.ge [sflag:s28], $0x200  }
0x1bc: {  	[sflag:s28] =	ssyncset.done $0x0  }
0x1bd: {  	[sflag:s28] =	ssyncadd.s32 $0xFFFFFE00  }
0x1be: {  	_ =	swait.ge [sflag:s28], $0x200  }
0x1bf: {  	s0 =	simm.s32 $0x0;
	[sflag:s28] =	ssyncset.done $0x0  }
0x1c0: {  	s2 =	simm.s32 $0x1000;
	s29 =	simm.s32 $0x2;
	[sflag:s28] =	ssyncadd.s32 $0xFFFFFE00  }
0x1c1: {  	[hbm4b:s31+s0] =	stream.linear.scatter [tilespmem:s2], [sflag:$0x2], $0x4000, $0x38;
	[tilespmem:$0x9000] =	vst v63  }
0x1c2: {  	_ =	swait.ge [sflag:s29], $0x4000  }
0x1c3: {  	[sflag:s29] =	ssyncset.done $0x0  }
0x1c4: {  	[sflag:s29] =	ssyncadd.s32 $0xFFFFC000  }
0x1c5: {  	[hbm4b:s4+s0] =	stream.linear.scatter [tilespmem:s30], [sflag:$0x2], $0x4000, $0x38;
	[tilespmem:$0x9000] =	vst v63  }
0x1c6: {  	_ =	swait.ge [sflag:s29], $0x4000  }
0x1c7: {  	s3 =	sld [smem:$0x7E7]  }
0x1c8: {  	s31 =	sld [smem:$0x7F2];
	_ =	sdelay $0x1  }
0x1c9: {  	s3 =	sadd.s32 $0x1, s3  }
0x1ca: {  	p0 =	sne.s32 s3, s31  }
.Ltmp1:
0x1cb: {  	_ = 	snop;
	(pc) =	sbr.rel @p0 .LBB2_1-.Ltmp1, $3  }
0x1cc: {  	_ =	sdelay $0x1  }
0x1cd: {  	[sflag:s29] =	ssyncset.done $0x0  }
0x1ce: {  	s6 =	simm.s32 $0x800;
	[sflag:s29] =	ssyncadd.s32 $0xFFFFC000  }
0x1cf: {  	_ =	sfence.sel $0x180000  }
0x1d0: {  	[bflag:$0x0] =	sbarrier.arrive $0xFFFF  }
0x1d1: {  	_ =	strace $0x90000047  }
0x1d2: {  	s0 =	stileid.u32;
	[bflag:$0x2] =	sbarrier.arrive $0xFFFF  }
0x1d3: {  	p0 =	sne.s32 s0, $0x0;
	s0 =	rddreg [dreg:$0x4]  }
0x1d4: {  	s0 =	sadd.s32 @!p0 $0x100000, s0  }
0x1d5: {  	[sflag:s0] =	ssyncadd.tile.s32 @!p0 $0x1;
	_ =	shalt  }
.Lfunc_end2:
_tile_overlayer_lowered:
.L_overlay_start_2:
0x1d6: {  	(tag) =	ssettag $0x2  }
0x1d7: {  	s0 =	rddreg [dreg:$0x0];
	s2 =	stileid.u32  }
0x1d8: {  	s1 =	rddreg [dreg:$0x1];
	p0 =	sne.s32 s2, $0x0  }
0x1d9: {  	s3 =	rddreg [dreg:$0x2];
	[bflag:$0x3] =	sbarrier.arrive $0xFFFF;
	s2 =	simm.s32 @!p0 $0x1C02  }
0x1da: {  	[timem:s3], [sflag:s2] =	dma.local @!p0 [hbm:s0], s1  }
0x1db: {  	s0 =	simm.s32 @!p0 $0x2  }
0x1dc: {  	_ =	swait.ge @!p0 [sflag:s0], s1  }
0x1dd: {  	s1 =	ssub.s32 @!p0 $0x0, s1;
	[sflag:s0] =	ssyncset.done @!p0 $0x0  }
0x1de: {  	[sflag:s0] =	ssyncadd.s32 @!p0 s1  }
0x1df: {  	[bflag:$0x3] =	sbarrier.arrive $0xFFFF  }
0x1e0: {  	_ =	shalt  }

// kernel: sparse-core-data-format-call.1.cloned.1.call-start
scs
called_computation.1_lowered:
.L_overlay_start_0:
0x0: {  	s2 =	sld [smem:$0x3FD9]  }
0x1: {  	s3 =	sld [smem:$0x3FFE];
	_ =	sdelay $0x1  }
0x2: {  	s1 =	srdreg.scid  }
0x3: {  	s0 =	sand.u32 $0x1, s1  }
0x4: {  	s16 =	sshll.u32 s0, $0xA;
	s2 =	sadd.s32 s3, s2  }
0x5: {  	s2 =	sadd.s32 s2, s16  }
0x6: {  	[smem:$0x3FC5] =	sst s2  }
0x7: {  	_ = 	snop  }
0x8: {  	s2 =	sld [smem:$0x3FD0];
	_ =	sdelay $0x2  }
0x9: {  	s17 =	simm.s32 $0xB;
	s4 =	simm.s32 $0x10  }
0xa: {  	[smem:s4], [sflag:s17] =	dma.local [hbm:s2], $0x1  }
0xb: {  	_ =	swait.eq [sflag:s17], $0x1  }
0xc: {  	[sflag:s17] =	ssyncset.done $0x0  }
0xd: {  	[sflag:s17] =	ssyncadd.s32 $0xFFFFFFFF  }
0xe: {  	s18 =	sld [smem:$0x10];
	(tm) =	ssettm $0x1  }
0xf: {  	s19 =	sld [smem:$0x3FFB];
	_ =	sdelay $0x3  }
0x10: {  	_ =	strace s19  }
0x11: {  	s2 =	sld [smem:$0x3FFC];
	_ =	sdelay $0x3  }
0x12: {  	_ =	strace s2  }
0x13: {  	s2 =	sld [smem:$0x3FFD];
	_ =	sdelay $0x3  }
0x14: {  	_ =	strace s2  }
0x15: {  	_ =	strace $0x8FFFFFFF  }
0x16: {  	s20 =	sld [smem:$0x3FDB];
	_ =	sdelay $0x1  }
0x17: {  	s21 =	simm.s32 $_scs_section_size  }
0x18: {  	s5 =	simm.s32 $_size__tile_overlayer_lowered;
	s6 =	simm.s32 $_tile_overlayer_lowered  }
0x19: {  	s7 =	simm.s32 $0x1BFF;
	s22 =	sshll.u32 s6, $0x1;
	s4 =	sadd.s32 s21, s20  }
0x1a: {  	s23 =	simm.s32 $0x0;
	s5 =	sshll.u32 s5, $0x1;
	s6 =	sadd.s32 s22, s4  }
0x1b: {  	[timem:s23], [sflag:s7] =	dma.local [hbm:s6], s5  }
0x1c: {  	_ =	swait.ge [sflag:s7], s5  }
0x1d: {  	s5 =	ssub.s32 $0x0, s5;
	[sflag:s7] =	ssyncset.done $0x0  }
0x1e: {  	[sflag:s7] =	ssyncadd.s32 s5;
	_ =	sdelay $0x1  }
0x1f: {  	s24 =	simm.s32 $0x1B8B  }
0x20: {  	_ =	swait.ge [sflag:s24], $0x1  }
0x21: {  	[sflag:s24] =	ssyncset.done $0x0  }
0x22: {  	[sflag:s24] =	ssyncadd.s32 $0xFFFFFFFF  }
0x23: {  	s5 =	sld [smem:$0x0]  }
0x24: {  	s6 =	sand.u32 $0xFFFFFFFE, s1  }
0x25: {  	p0 =	sne.s32 s1, s6  }
0x26: {  	s6 =	sshll.u32 @p0 s6, $0xE  }
0x27: {  	s6 =	sadd.s32 @p0 $0x11B8D, s6;
	s7 =	sshll.u32 @p0 s5, $0x11  }
0x28: {  	s6 =	sor.u32 @p0 s7, s6  }
0x29: {  	[sflag:s6] =	ssyncadd.remote.s32 @p0 $0x1;
	_ =	sdelay $0x1  }
0x2a: {  	s6 =	simm.s32 @p0 $0x1B8D  }
0x2b: {  	_ =	swait.eq @p0 [sflag:s6], $0x1  }
0x2c: {  	[sflag:s6] =	ssyncadd.s32 @p0 $0xFFFFFFFF  }
0x2d: {  	s7 =	sshll.u32 @!p0 s1, $0xE  }
0x2e: {  	s7 =	sor.u32 @!p0 $0x4000, s7;
	s6 =	simm.s32 @!p0 $0x1B8D  }
0x2f: {  	s5 =	sshll.u32 @!p0 s5, $0x11;
	s7 =	sadd.s32 @!p0 $0x11B8D, s7;
	_ =	swait.eq @!p0 [sflag:s6], $0x1  }
0x30: {  	s5 =	sor.u32 @!p0 s5, s7;
	[sflag:s6] =	ssyncadd.s32 @!p0 $0xFFFFFFFF  }
0x31: {  	s26 =	simm.s32 $0x1B8E;
	s25 =	sld [smem:$0x3FFE];
	[sflag:s5] =	ssyncadd.remote.s32 @!p0 $0x1  }
0x32: {  	s27 =	simm.s32 $execute0_lowered;
	[smem:$0x3FD2] =	sst s26  }
0x33: {  	s6 =	sshll.u32 s27, $0x1;
	_ =	strace $0x8000004C;
	[dreg:$0x1] =	wrdreg $0xFFFFFFFF  }
0x34: {  	s28 =	simm.s32 $_size_execute0_lowered;
	s4 =	sadd.s32 s4, s6;
	[dreg:$0x0] =	wrdreg $0x0  }
0x35: {  	s6 =	sshll.u32 s28, $0x1;
	[dreg:$0x2] =	wrdreg s4  }
0x36: {  	[dreg:$0x3] =	wrdreg s6  }
0x37: {  	[dreg:$0x4] =	wrdreg $0xC0  }
0x38: {  	_ =	task [dreg:s23], $0x5FFFF  }
0x39: {  	[dreg:$0x1] =	wrdreg $0xFFFFFFFF  }
0x3a: {  	[dreg:$0x0] =	wrdreg $0x60  }
0x3b: {  	[dreg:$0x2] =	wrdreg s25  }
0x3c: {  	[dreg:$0x3] =	wrdreg s18  }
0x3d: {  	[dreg:$0x4] =	wrdreg $0xA  }
0x3e: {  	_ =	task.clear_ibuf [dreg:s23], $0x5FFFF;
	_ =	strace $0x9000004C  }
0x3f: {  	s29 =	simm.s32 $0xA;
	_ =	strace $0x8000004E  }
0x40: {  	_ =	swait.ge [sflag:s29], $0x1  }
0x41: {  	[sflag:s29] =	ssyncadd.s32 $0xFFFFFFFF  }
0x42: {  	_ =	strace $0x9000004E  }
0x43: {  	_ =	sfence  }
0x44: {  	s30 =	sld [smem:$0x0];
	_ =	sdelay $0x2  }
0x45: {  	s31 =	sshll.u32 s1, $0xD;
	s1 =	sshrl.u32 s1, $0x2  }
0x46: {  	s4 =	sand.u32 $0x4000, s31;
	s1 =	sadd.s32 s1, s30  }
0x47: {  	s0 =	sor.u32 s4, s0;
	s1 =	sshll.u32 s1, $0x11  }
0x48: {  	s0 =	sor.u32 s1, s0  }
0x49: {  	s0 =	sadd.s32 $0x8F2B, s0  }
0x4a: {  	[sflag:s0] =	ssyncadd.remote.s32 $0x1  }
0x4b: {  	_ =	sfence.sel $0xFFFF  }
0x4c: {  	[dreg:$0x0] =	wrdreg $0xFFFFFFFF;
	(pc) =	sbr.abs _section_cstart, $3  }
0x4d: {  	[dreg:$0x1] =	wrdreg $0xFFFFFFFF  }
0x4e: {  	_ =	task.clear_ibuf [dreg:s23], $0x2FFFF;
	_ =	strace $0x9FFFFFFF  }
0x4f: {  	(tm) =	ssettm $0x7FFFFFFF  }
tec
execute0_lowered:
.L_overlay_start_1:
0x0: {  	(tag) =	ssettag $0x1  }
0x1: {  	s0 =	srdreg.scid  }
0x2: {  	s5 =	rddreg [dreg:$0x0];
	s1 =	sshll.u32 s0, $0x4  }
0x3: {  	s2 =	rddreg [dreg:$0x1];
	s0 =	stileid.u32;
	s1 =	sand.u32 $0x10, s1  }
0x4: {  	s4 =	simm.s32 $0x1;
	s8 =	simm.s32 $0x2;
	s1 =	sor.u32 s0, s1  }
0x5: {  	s12 =	simm.s32 $0x0;
	s9 =	simm.s32 $0x0;
	s3 =	sshll.u32 s1, $0x7  }
0x6: {  	s11 =	simm.s32 $0x0;
	s5 =	sadd.s32 $0x3841000, s5;
	s6 =	ssub.s32 $0x320000, s3  }
.Ltmp0:
0x7: {  	s1 =	rddreg [dreg:$0x2];
	s7 =	sand.u32 $0xF80, s6;
	(pc) =	sbr.rel .LBB1_1-.Ltmp0, $4  }
0x8: {  	_ =	strace $0x8000004D;
	p0 =	sne.s32 s7, $0x0;
	s7 =	simm.s32 $0x1  }
0x9: {  	[sflag:s4] =	ssyncpa.u1 $0x0;
	s6 =	sshrl.u32 s6, $0xC;
	s7 =	simm.s32 @!p0 $0x0  }
0xa: {  	s10 =	smov.u32 s3;
	[sflag:s8] =	ssyncpa.u1 $0x0;
	s6 =	sadd.s32 s7, s6  }
0xb: {  	s8 =	simm.s32 $0xC80000;
	p0 =	por $0x0, $0x0;
	s7 =	sadd.s32 $0x1, s6  }
.LBB1_4:
0xc: {  	s15 =	sshll.u32 s9, $0x2  }
0xd: {  	s16 =	sand.u32 $0x7F, s9;
	s17 =	sand.u32 $0xFFFFFE00, s15  }
0xe: {  	s15 =	smulhi.u32 $0x51EB851F, s15;
	s16 =	sor.u32 s16, s17  }
0xf: {  	p1 =	sgt.s32 s9, $0x31FF80;
	s18 =	smov.u32 s9;
	s17 =	smulhi.u32 $0x51EB851F, s16  }
0x10: {  	s19 =	sshra.s32 s9, $0x1F;
	s18 =	simm.s32 @!p1 $0x31FF80  }
0x11: {  	s19 =	sand.u32 s19, s9;
	s15 =	sshrl.u32 s15, $0x14;
	s17 =	sshrl.u32 s17, $0x14  }
0x12: {  	s18 =	ssub.s32 s18, s19;
	s15 =	sand.u32 $0x3, s15;
	s17 =	smul.u32 $0x320000, s17  }
0x13: {  	s18 =	sadd.s32 $0xFFCE0080, s18;
	s15 =	smul.u32 $0x64000, s15  }
0x14: {  	s27 =	sshll.u32 s18, $0x4;
	p1 =	sgt.s32 s18, $0x7F;
	s16 =	ssub.s32 s16, s17  }
0x15: {  	s28 =	ssub.s32 $0x800, s27;
	s15 =	sadd.s32 s2, s15;
	s29 =	sand.u32 $0x7, s16  }
0x16: {  	s17 =	sshrl.u32 s28, $0x2;
	s16 =	sshrl.u32 s16, $0x3;
	s18 =	sshll.u32 s29, $0x12  }
0x17: {  	[tilespmem:s14+$0x0 ss:$0x81] =	vst.msk $0xffff, v0;
	s17 =	simm.s32 @p1 $0x0;
	s30 =	sadd.s32 s16, s15;
	s31 =	sor.u32 $0x200, s18  }
0x18: {  	[hbm4b:s30+s31] =	stream.strided.scatter [tilespmem:s13], [sflag:$0x2], s17, s8, s31, $0x20;
	[tilespmem:$0x4040] =	vst v63  }
.LBB1_5:
0x19: {  	p1 =	slt.u32 s11, $0x2  }
0x1a: {  	p2 =	sgt.s32 @!p1 s12, $0x31FF80  }
0x1b: {  	s13 =	smov.u32 s12;
	s14 =	sshra.s32 @!p1 s12, $0x1F;
	p2 =	por !p2, p1  }
0x1c: {  	s12 =	sand.u32 @!p1 s14, s12;
	s13 =	simm.s32 @p2 $0x31FF80  }
0x1d: {  	s12 =	ssub.s32 @!p1 s13, s12  }
0x1e: {  	s12 =	sadd.s32 @!p1 $0xFFCE0080, s12  }
0x1f: {  	s13 =	sshll.u32 @!p1 s12, $0x4  }
0x20: {  	p2 =	sgt.s32 @!p1 s12, $0x7F;
	s12 =	ssub.s32 @!p1 $0x800, s13  }
0x21: {  	s14 =	sadd.s32 $0x1000, s10;
	p2 =	por !p2, p1;
	s12 =	sshrl.u32 @!p1 s12, $0x2  }
0x22: {  	s12 =	simm.s32 @!p2 $0x0;
	p2 =	sgt.s32 s14, $0x31FFFF  }
0x23: {  	s14 =	smov.u32 @p2 s3;
	p2 =	sne.s32 s11, s7  }
.Ltmp1:
0x24: {  	_ = 	snop;
	(pc) =	sbr.rel @!p2 .LBB1_6-.Ltmp1, $4  }
0x25: {  	s13 =	simm.s32 @!p1 $0x2  }
0x26: {  	p0 =	por !p0, !p0;
	_ =	swait.ge @!p1 [sflag:s13], s12;
	s15 =	ssub.s32 @!p1 $0x0, s12  }
0x27: {  	s12 =	smov.u32 s9;
	s11 =	sadd.s32 $0x1, s11;
	[sflag:s13] =	ssyncset.done @!p1 $0x0  }
0x28: {  	s9 =	smov.u32 s10;
	s10 =	smov.u32 s14;
	[sflag:s13] =	ssyncadd.s32 @!p1 s15  }
.LBB1_1:
0x29: {  	p1 =	sge.u32 s11, s6  }
0x2a: {  	s13 =	sand.u32 @!p1 $0x1FFFFFF, s10  }
0x2b: {  	s14 =	smulhi.u32 @!p1 $0x147AE15, s13;
	_ =	sdelay $0x1  }
0x2c: {  	s14 =	sshrl.u32 @!p1 s14, $0xE  }
0x2d: {  	s14 =	smul.u32 @!p1 $0x320000, s14;
	_ =	sdelay $0x1  }
0x2e: {  	s31 =	sadd.s32 $0xFFFFFFFF, s11;
	s15 =	sxor.u32 @!p1 $0xFFFFFFFF, s11;
	s13 =	ssub.s32 @!p1 s13, s14  }
0x2f: {  	s16 =	simm.s32 @!p1 $0x80;
	s15 =	sshll.u32 @!p1 s15, $0xC;
	s13 =	sshll.u32 @!p1 s13, $0x4  }
0x30: {  	s14 =	sand.u32 @!p1 $0x1000, s15;
	s15 =	simm.s32 @!p1 $0x20;
	s13 =	sadd.s32 @!p1 s5, s13  }
0x31: {  	[tilespmem:s14], [sflag:$0x1] =	stream.strided.gather @!p1 [hbm4b:s13+s15], $0x1000, s16, s15, $0x38;
	[tilespmem:$0x4040] =	vst v63  }
0x32: {  	p1 =	sge.u32 s31, s6  }
.Ltmp2:
0x33: {  	_ = 	snop;
	(pc) =	sbr.rel @p1 .LBB1_5-.Ltmp2, $1  }
0x34: {  	_ =	sdelay $0x3  }
0x35: {  	s13 =	simm.s32 $0x1  }
0x36: {  	_ =	swait.ge [sflag:s4], $0x1000;
	s13 =	simm.s32 @!p0 $0x0  }
0x37: {  	[sflag:s4] =	ssyncset.done $0x0;
	s14 =	sshll.u32 s13, $0xC  }
0x38: {  	[sflag:s4] =	ssyncadd.s32 $0xFFFFF000;
	s17 =	sor.u32 $0x10, s14  }
0x39: {  	s13 =	smul.u32 $0x4080, s13;
	v1 =	vld [tilespmem:s17+$0x0]  }
0x3a: {  	s30 =	sand.u32 $0x1, s11;
	v0 =	vld [tilespmem:s17+$0xFFFFFFF0]  }
0x3b: {  	s14 =	smul.u32 $0x4080, s30;
	s13 =	sshrl.u32 s13, $0x2  }
0x3c: {  	s15 =	sor.u32 $0x2000, s13  }
0x3d: {  	s31 =	sshrl.u32 s14, $0x2;
	s14 =	sadd.s32 $0x0, s15  }
0x3e: {  	s16 =	simm.s32 $0x4;
	s17 =	sadd.s32 $0x20, s17;
	s13 =	sor.u32 $0x2000, s31;
	[tilespmem:s14+$0x810 ss:$0x81] =	vst.msk $0xffff, v1  }
.LBB1_3:
0x3f: {  	v1 =	vld [tilespmem:s17+$0x0];
	p1 =	sne.s32 s16, $0x1FC;
	[tilespmem:s14+$0x0 ss:$0x81] =	vst.msk $0xffff, v0;
	s14 =	smov.u32 s16;
	s16 =	sadd.s32 $0x4, s16  }
.Ltmp3:
0x40: {  	v0 =	vld [tilespmem:s17+$0xFFFFFFF0];
	(pc) =	sbr.rel @p1 .LBB1_3-.Ltmp3, $4  }
0x41: {  	_ = 	snop  }
0x42: {  	s14 =	sshra.s32 s14, $0x2  }
0x43: {  	s14 =	sadd.s32 s14, s15  }
0x44: {  	s17 =	sadd.s32 $0x20, s17;
	[tilespmem:s14+$0x810 ss:$0x81] =	vst.msk $0xffff, v1  }
.Ltmp4:
0x45: {  	_ = 	snop;
	(pc) =	sbr.rel .LBB1_4-.Ltmp4, $1  }
0x46: {  	_ =	sdelay $0x3  }
.LBB1_6:
0x47: {  	_ =	sfence.sel $0x180000  }
0x48: {  	s2 =	simm.s32 $0x1;
	[bflag:$0x0] =	sbarrier.arrive $0xFFFF  }
0x49: {  	s31 =	simm.s32 $0x2;
	[sflag:s2] =	ssyncpa.u1 $0x1  }
0x4a: {  	[sflag:s31] =	ssyncpa.u1 $0x1  }
0x4b: {  	p0 =	sne.s32 s0, $0x0;
	_ =	strace $0x9000004D  }
0x4c: {  	s0 =	sadd.s32 @!p0 $0x100000, s1;
	[bflag:$0x2] =	sbarrier.arrive $0xFFFF  }
0x4d: {  	[sflag:s0] =	ssyncadd.tile.s32 @!p0 $0x1;
	_ =	shalt  }
.Lfunc_end1:
_tile_overlayer_lowered:
.L_overlay_start_2:
0x4e: {  	(tag) =	ssettag $0x2  }
0x4f: {  	s0 =	rddreg [dreg:$0x0];
	s2 =	stileid.u32  }
0x50: {  	s1 =	rddreg [dreg:$0x1];
	p0 =	sne.s32 s2, $0x0  }
0x51: {  	s3 =	rddreg [dreg:$0x2];
	[bflag:$0x3] =	sbarrier.arrive $0xFFFF;
	s2 =	simm.s32 @!p0 $0x1C01  }
0x52: {  	[timem:s3], [sflag:s2] =	dma.local @!p0 [hbm:s0], s1  }
0x53: {  	s0 =	simm.s32 @!p0 $0x1  }
0x54: {  	_ =	swait.ge @!p0 [sflag:s0], s1  }
0x55: {  	s1 =	ssub.s32 @!p0 $0x0, s1;
	[sflag:s0] =	ssyncset.done @!p0 $0x0  }
0x56: {  	[sflag:s0] =	ssyncadd.s32 @!p0 s1  }
0x57: {  	[bflag:$0x3] =	sbarrier.arrive $0xFFFF  }
0x58: {  	_ =	shalt  }

// kernel: sparse-core-data-format-call.cloned.1.call-start
scs
called_computation_lowered:
.L_overlay_start_0:
0x0: {  	s2 =	sld [smem:$0x3FD9]  }
0x1: {  	s3 =	sld [smem:$0x3FFE];
	_ =	sdelay $0x1  }
0x2: {  	s1 =	srdreg.scid  }
0x3: {  	s0 =	sand.u32 $0x1, s1  }
0x4: {  	s15 =	sshll.u32 s0, $0xA;
	s2 =	sadd.s32 s3, s2  }
0x5: {  	s2 =	sadd.s32 s2, s15  }
0x6: {  	[smem:$0x3FC5] =	sst s2  }
0x7: {  	_ = 	snop  }
0x8: {  	s2 =	sld [smem:$0x3FD0];
	_ =	sdelay $0x2  }
0x9: {  	s16 =	simm.s32 $0xB;
	s4 =	simm.s32 $0x10  }
0xa: {  	[smem:s4], [sflag:s16] =	dma.local [hbm:s2], $0x1  }
0xb: {  	_ =	swait.eq [sflag:s16], $0x1  }
0xc: {  	[sflag:s16] =	ssyncset.done $0x0  }
0xd: {  	[sflag:s16] =	ssyncadd.s32 $0xFFFFFFFF  }
0xe: {  	s17 =	sld [smem:$0x11];
	(tm) =	ssettm $0x1  }
0xf: {  	s18 =	sld [smem:$0x3FFB];
	_ =	sdelay $0x3  }
0x10: {  	_ =	strace s18  }
0x11: {  	s3 =	sld [smem:$0x3FFC];
	_ =	sdelay $0x3  }
0x12: {  	_ =	strace s3  }
0x13: {  	s3 =	sld [smem:$0x3FFD];
	_ =	sdelay $0x3  }
0x14: {  	_ =	strace s3  }
0x15: {  	_ =	strace $0x8FFFFFFF  }
0x16: {  	s19 =	sld [smem:$0x3FDB];
	_ =	sdelay $0x1  }
0x17: {  	s20 =	simm.s32 $_scs_section_size  }
0x18: {  	s5 =	simm.s32 $_size__tile_overlayer_lowered;
	s6 =	simm.s32 $_tile_overlayer_lowered  }
0x19: {  	s23 =	simm.s32 $0x1BFF;
	s22 =	sshll.u32 s6, $0x1;
	s3 =	sadd.s32 s20, s19  }
0x1a: {  	s7 =	simm.s32 $0x0;
	s21 =	sshll.u32 s5, $0x1;
	s5 =	sadd.s32 s22, s3  }
0x1b: {  	[timem:s7], [sflag:s23] =	dma.local [hbm:s5], s21  }
0x1c: {  	_ =	swait.ge [sflag:s23], s21  }
0x1d: {  	s4 =	ssub.s32 $0x0, s21;
	[sflag:s23] =	ssyncset.done $0x0  }
0x1e: {  	[sflag:s23] =	ssyncadd.s32 s4;
	_ =	sdelay $0x1  }
0x1f: {  	s24 =	simm.s32 $0x1B8B  }
0x20: {  	_ =	swait.ge [sflag:s24], $0x1  }
0x21: {  	[sflag:s24] =	ssyncset.done $0x0  }
0x22: {  	s26 =	simm.s32 $0x1B8E;
	s25 =	sld [smem:$0x3FFE];
	[sflag:s24] =	ssyncadd.s32 $0xFFFFFFFF  }
0x23: {  	s27 =	simm.s32 $execute0_lowered;
	[smem:$0x3FD2] =	sst s26  }
0x24: {  	s5 =	sshll.u32 s27, $0x1;
	_ =	strace $0x80000049;
	[dreg:$0x1] =	wrdreg $0xFFFFFFFF  }
0x25: {  	s28 =	simm.s32 $_size_execute0_lowered;
	s3 =	sadd.s32 s3, s5;
	[dreg:$0x0] =	wrdreg $0x0  }
0x26: {  	s5 =	sshll.u32 s28, $0x1;
	[dreg:$0x2] =	wrdreg s3  }
0x27: {  	[dreg:$0x3] =	wrdreg s5  }
0x28: {  	[dreg:$0x4] =	wrdreg $0xC0  }
0x29: {  	_ =	task [dreg:s7], $0x5FFFF  }
0x2a: {  	[dreg:$0x1] =	wrdreg $0xFFFFFFFF  }
0x2b: {  	[dreg:$0x0] =	wrdreg $0x60  }
0x2c: {  	[dreg:$0x2] =	wrdreg s25  }
0x2d: {  	[dreg:$0x3] =	wrdreg s17  }
0x2e: {  	[dreg:$0x4] =	wrdreg $0x9  }
0x2f: {  	_ =	task.clear_ibuf [dreg:s7], $0x5FFFF;
	_ =	strace $0x90000049  }
0x30: {  	s29 =	simm.s32 $0x9;
	_ =	strace $0x8000004B  }
0x31: {  	_ =	swait.ge [sflag:s29], $0x1  }
0x32: {  	[sflag:s29] =	ssyncadd.s32 $0xFFFFFFFF  }
0x33: {  	_ =	strace $0x9000004B  }
0x34: {  	_ =	sfence  }
0x35: {  	s30 =	sld [smem:$0x0];
	_ =	sdelay $0x2  }
0x36: {  	s31 =	sshll.u32 s1, $0xD;
	s1 =	sshrl.u32 s1, $0x2  }
0x37: {  	s3 =	sand.u32 $0x4000, s31;
	s1 =	sadd.s32 s1, s30  }
0x38: {  	s0 =	sor.u32 s3, s0;
	s1 =	sshll.u32 s1, $0x11  }
0x39: {  	s0 =	sor.u32 s1, s0  }
0x3a: {  	s0 =	sadd.s32 $0x8F2B, s0  }
0x3b: {  	[sflag:s0] =	ssyncadd.remote.s32 $0x1  }
0x3c: {  	_ =	sfence.sel $0xFFFF  }
0x3d: {  	[dreg:$0x0] =	wrdreg $0xFFFFFFFF;
	(pc) =	sbr.abs _section_cstart, $3  }
0x3e: {  	[dreg:$0x1] =	wrdreg $0xFFFFFFFF  }
0x3f: {  	_ =	task.clear_ibuf [dreg:s7], $0x2FFFF;
	_ =	strace $0x9FFFFFFF  }
0x40: {  	(tm) =	ssettm $0x7FFFFFFF  }
0x41: {  	_ =	shalt  }
tec
execute0_lowered:
.L_overlay_start_1:
0x0: {  	(tag) =	ssettag $0x1  }
0x1: {  	s0 =	srdreg.scid  }
0x2: {  	s5 =	rddreg [dreg:$0x0];
	s1 =	sshll.u32 s0, $0x4  }
0x3: {  	s2 =	rddreg [dreg:$0x1];
	s0 =	stileid.u32;
	s1 =	sand.u32 $0x10, s1  }
0x4: {  	s4 =	simm.s32 $0x1;
	s8 =	simm.s32 $0x2;
	s1 =	sor.u32 s0, s1  }
0x5: {  	s12 =	simm.s32 $0x0;
	s9 =	simm.s32 $0x0;
	s3 =	sshll.u32 s1, $0x7  }
0x6: {  	s11 =	simm.s32 $0x0;
	s5 =	sadd.s32 $0x641000, s5;
	s6 =	ssub.s32 $0x320000, s3  }
.Ltmp0:
0x7: {  	s1 =	rddreg [dreg:$0x2];
	s7 =	sand.u32 $0xF80, s6;
	(pc) =	sbr.rel .LBB1_1-.Ltmp0, $4  }
0x8: {  	_ =	strace $0x8000004A;
	p0 =	sne.s32 s7, $0x0;
	s7 =	simm.s32 $0x1  }
0x9: {  	[sflag:s4] =	ssyncpa.u1 $0x0;
	s6 =	sshrl.u32 s6, $0xC;
	s7 =	simm.s32 @!p0 $0x0  }
0xa: {  	s10 =	smov.u32 s3;
	[sflag:s8] =	ssyncpa.u1 $0x0;
	s6 =	sadd.s32 s7, s6  }
0xb: {  	s8 =	simm.s32 $0xC80000;
	p0 =	por $0x0, $0x0;
	s7 =	sadd.s32 $0x1, s6  }
.LBB1_4:
0xc: {  	s15 =	sshll.u32 s9, $0x2  }
0xd: {  	s16 =	sand.u32 $0x7F, s9;
	s17 =	sand.u32 $0xFFFFFE00, s15  }
0xe: {  	s15 =	smulhi.u32 $0x51EB851F, s15;
	s16 =	sor.u32 s16, s17  }
0xf: {  	p1 =	sgt.s32 s9, $0x31FF80;
	s18 =	smov.u32 s9;
	s17 =	smulhi.u32 $0x51EB851F, s16  }
0x10: {  	s19 =	sshra.s32 s9, $0x1F;
	s18 =	simm.s32 @!p1 $0x31FF80  }
0x11: {  	s19 =	sand.u32 s19, s9;
	s15 =	sshrl.u32 s15, $0x14;
	s17 =	sshrl.u32 s17, $0x14  }
0x12: {  	s18 =	ssub.s32 s18, s19;
	s15 =	sand.u32 $0x3, s15;
	s17 =	smul.u32 $0x320000, s17  }
0x13: {  	s18 =	sadd.s32 $0xFFCE0080, s18;
	s15 =	smul.u32 $0x64000, s15  }
0x14: {  	s27 =	sshll.u32 s18, $0x4;
	p1 =	sgt.s32 s18, $0x7F;
	s16 =	ssub.s32 s16, s17  }
0x15: {  	s28 =	ssub.s32 $0x800, s27;
	s15 =	sadd.s32 s2, s15;
	s29 =	sand.u32 $0x7, s16  }
0x16: {  	s17 =	sshrl.u32 s28, $0x2;
	s16 =	sshrl.u32 s16, $0x3;
	s18 =	sshll.u32 s29, $0x12  }
0x17: {  	[tilespmem:s14+$0x0 ss:$0x81] =	vst.msk $0xffff, v0;
	s17 =	simm.s32 @p1 $0x0;
	s30 =	sadd.s32 s16, s15;
	s31 =	sor.u32 $0x200, s18  }
0x18: {  	[hbm4b:s30+s31] =	stream.strided.scatter [tilespmem:s13], [sflag:$0x2], s17, s8, s31, $0x20;
	[tilespmem:$0x4040] =	vst v63  }
.LBB1_5:
0x19: {  	p1 =	slt.u32 s11, $0x2  }
0x1a: {  	p2 =	sgt.s32 @!p1 s12, $0x31FF80  }
0x1b: {  	s13 =	smov.u32 s12;
	s14 =	sshra.s32 @!p1 s12, $0x1F;
	p2 =	por !p2, p1  }
0x1c: {  	s12 =	sand.u32 @!p1 s14, s12;
	s13 =	simm.s32 @p2 $0x31FF80  }
0x1d: {  	s12 =	ssub.s32 @!p1 s13, s12  }
0x1e: {  	s12 =	sadd.s32 @!p1 $0xFFCE0080, s12  }
0x1f: {  	s13 =	sshll.u32 @!p1 s12, $0x4  }
0x20: {  	p2 =	sgt.s32 @!p1 s12, $0x7F;
	s12 =	ssub.s32 @!p1 $0x800, s13  }
0x21: {  	s14 =	sadd.s32 $0x1000, s10;
	p2 =	por !p2, p1;
	s12 =	sshrl.u32 @!p1 s12, $0x2  }
0x22: {  	s12 =	simm.s32 @!p2 $0x0;
	p2 =	sgt.s32 s14, $0x31FFFF  }
0x23: {  	s14 =	smov.u32 @p2 s3;
	p2 =	sne.s32 s11, s7  }
.Ltmp1:
0x24: {  	_ = 	snop;
	(pc) =	sbr.rel @!p2 .LBB1_6-.Ltmp1, $4  }
0x25: {  	s13 =	simm.s32 @!p1 $0x2  }
0x26: {  	p0 =	por !p0, !p0;
	_ =	swait.ge @!p1 [sflag:s13], s12;
	s15 =	ssub.s32 @!p1 $0x0, s12  }
0x27: {  	s12 =	smov.u32 s9;
	s11 =	sadd.s32 $0x1, s11;
	[sflag:s13] =	ssyncset.done @!p1 $0x0  }
0x28: {  	s9 =	smov.u32 s10;
	s10 =	smov.u32 s14;
	[sflag:s13] =	ssyncadd.s32 @!p1 s15  }
.LBB1_1:
0x29: {  	p1 =	sge.u32 s11, s6  }
0x2a: {  	s13 =	sand.u32 @!p1 $0x1FFFFFF, s10  }
0x2b: {  	s14 =	smulhi.u32 @!p1 $0x147AE15, s13;
	_ =	sdelay $0x1  }
0x2c: {  	s14 =	sshrl.u32 @!p1 s14, $0xE  }
0x2d: {  	s14 =	smul.u32 @!p1 $0x320000, s14;
	_ =	sdelay $0x1  }
0x2e: {  	s31 =	sadd.s32 $0xFFFFFFFF, s11;
	s15 =	sxor.u32 @!p1 $0xFFFFFFFF, s11;
	s13 =	ssub.s32 @!p1 s13, s14  }
0x2f: {  	s16 =	simm.s32 @!p1 $0x80;
	s15 =	sshll.u32 @!p1 s15, $0xC;
	s13 =	sshll.u32 @!p1 s13, $0x4  }
0x30: {  	s14 =	sand.u32 @!p1 $0x1000, s15;
	s15 =	simm.s32 @!p1 $0x20;
	s13 =	sadd.s32 @!p1 s5, s13  }
0x31: {  	[tilespmem:s14], [sflag:$0x1] =	stream.strided.gather @!p1 [hbm4b:s13+s15], $0x1000, s16, s15, $0x38;
	[tilespmem:$0x4040] =	vst v63  }
0x32: {  	p1 =	sge.u32 s31, s6  }
.Ltmp2:
0x33: {  	_ = 	snop;
	(pc) =	sbr.rel @p1 .LBB1_5-.Ltmp2, $1  }
0x34: {  	_ =	sdelay $0x3  }
0x35: {  	s13 =	simm.s32 $0x1  }
0x36: {  	_ =	swait.ge [sflag:s4], $0x1000;
	s13 =	simm.s32 @!p0 $0x0  }
0x37: {  	[sflag:s4] =	ssyncset.done $0x0;
	s14 =	sshll.u32 s13, $0xC  }
0x38: {  	[sflag:s4] =	ssyncadd.s32 $0xFFFFF000;
	s17 =	sor.u32 $0x10, s14  }
0x39: {  	s13 =	smul.u32 $0x4080, s13;
	v1 =	vld [tilespmem:s17+$0x0]  }
0x3a: {  	s30 =	sand.u32 $0x1, s11;
	v0 =	vld [tilespmem:s17+$0xFFFFFFF0]  }
0x3b: {  	s14 =	smul.u32 $0x4080, s30;
	s13 =	sshrl.u32 s13, $0x2  }
0x3c: {  	s15 =	sor.u32 $0x2000, s13  }
0x3d: {  	s31 =	sshrl.u32 s14, $0x2;
	s14 =	sadd.s32 $0x0, s15  }
0x3e: {  	s16 =	simm.s32 $0x4;
	s17 =	sadd.s32 $0x20, s17;
	s13 =	sor.u32 $0x2000, s31;
	[tilespmem:s14+$0x810 ss:$0x81] =	vst.msk $0xffff, v1  }
.LBB1_3:
0x3f: {  	v1 =	vld [tilespmem:s17+$0x0];
	p1 =	sne.s32 s16, $0x1FC;
	[tilespmem:s14+$0x0 ss:$0x81] =	vst.msk $0xffff, v0;
	s14 =	smov.u32 s16;
	s16 =	sadd.s32 $0x4, s16  }
.Ltmp3:
0x40: {  	v0 =	vld [tilespmem:s17+$0xFFFFFFF0];
	(pc) =	sbr.rel @p1 .LBB1_3-.Ltmp3, $4  }
0x41: {  	_ = 	snop  }
0x42: {  	s14 =	sshra.s32 s14, $0x2  }
0x43: {  	s14 =	sadd.s32 s14, s15  }
0x44: {  	s17 =	sadd.s32 $0x20, s17;
	[tilespmem:s14+$0x810 ss:$0x81] =	vst.msk $0xffff, v1  }
.Ltmp4:
0x45: {  	_ = 	snop;
	(pc) =	sbr.rel .LBB1_4-.Ltmp4, $1  }
0x46: {  	_ =	sdelay $0x3  }
.LBB1_6:
0x47: {  	_ =	sfence.sel $0x180000  }
0x48: {  	s2 =	simm.s32 $0x1;
	[bflag:$0x0] =	sbarrier.arrive $0xFFFF  }
0x49: {  	s31 =	simm.s32 $0x2;
	[sflag:s2] =	ssyncpa.u1 $0x1  }
0x4a: {  	[sflag:s31] =	ssyncpa.u1 $0x1  }
0x4b: {  	p0 =	sne.s32 s0, $0x0;
	_ =	strace $0x9000004A  }
0x4c: {  	s0 =	sadd.s32 @!p0 $0x100000, s1;
	[bflag:$0x2] =	sbarrier.arrive $0xFFFF  }
0x4d: {  	[sflag:s0] =	ssyncadd.tile.s32 @!p0 $0x1;
	_ =	shalt  }
.Lfunc_end1:
_tile_overlayer_lowered:
.L_overlay_start_2:
0x4e: {  	(tag) =	ssettag $0x2  }
0x4f: {  	s0 =	rddreg [dreg:$0x0];
	s2 =	stileid.u32  }
0x50: {  	s1 =	rddreg [dreg:$0x1];
	p0 =	sne.s32 s2, $0x0  }
0x51: {  	s3 =	rddreg [dreg:$0x2];
	[bflag:$0x3] =	sbarrier.arrive $0xFFFF;
	s2 =	simm.s32 @!p0 $0x1C01  }
0x52: {  	[timem:s3], [sflag:s2] =	dma.local @!p0 [hbm:s0], s1  }
0x53: {  	s0 =	simm.s32 @!p0 $0x1  }
0x54: {  	_ =	swait.ge @!p0 [sflag:s0], s1  }
0x55: {  	s1 =	ssub.s32 @!p0 $0x0, s1;
	[sflag:s0] =	ssyncset.done @!p0 $0x0  }
0x56: {  	[sflag:s0] =	ssyncadd.s32 @!p0 s1  }
0x57: {  	[bflag:$0x3] =	sbarrier.arrive $0xFFFF  }
0x58: {  	_ =	shalt  }

</sc_bundles>
